<compile_context>
chip_gen: v7x
topology: tpu7x:2x2x1
jax: 0.10.2.dev20260603
libtpu: 0.0.44.dev20260713+nightly
codegen_flags: <defaults>
</compile_context>

<pallas_src>
import functools

import jax
import jax.numpy as jnp
from jax import lax
from jax.experimental import pallas as pl
from jax.experimental.pallas import tpu as pltpu
from jax.experimental.pallas import tpu_sc as plsc

_NC = 2
_NS = 16
_NW = _NC * _NS
_CH = 100
_CHP = 80


def _make_deg(N, E):
    n_chunks = E // _CH
    per_tile = n_chunks // _NS
    blk = 8
    n_blk = per_tile // blk
    mesh = plsc.VectorSubcoreMesh(core_axis_name="c", subcore_axis_name="s")

    @functools.partial(
        pl.kernel,
        out_type=jax.ShapeDtypeStruct((_NC, N), jnp.float32),
        mesh=mesh,
        scratch_types=[
            pltpu.VMEM((blk, _CH), jnp.int32),
            pltpu.VMEM((_CH,), jnp.float32),
            pltpu.VMEM_SHARED((N,), jnp.float32),
        ],
    )
    def deg_kernel(ei_hbm, zeros_hbm, ones_hbm, out_hbm, idx_blk, ones_v, deg_sh):
        cid = lax.axis_index("c")
        sid = lax.axis_index("s")
        pltpu.sync_copy(ones_hbm, ones_v)

        @pl.when(sid == 0)
        def _():
            pltpu.sync_copy(zeros_hbm, deg_sh)

        plsc.subcore_barrier()

        def outer(bj, carry):
            row0 = pl.multiple_of(sid * per_tile + bj * blk, blk)
            pltpu.sync_copy(ei_hbm.at[cid, pl.ds(row0, blk)], idx_blk)

            def body(j, c2):
                pltpu.sync_copy(ones_v, deg_sh.at[idx_blk.at[j]], add=True)
                return c2

            return lax.fori_loop(0, blk, body, carry)

        lax.fori_loop(0, n_blk, outer, 0)
        plsc.subcore_barrier()

        @pl.when(sid == 0)
        def _():
            pltpu.sync_copy(deg_sh, out_hbm.at[cid])

    return deg_kernel


def _make_prop(N, E, D):
    n_chunks = E // _CHP
    per_tile = n_chunks // _NW
    mesh = plsc.VectorSubcoreMesh(core_axis_name="c", subcore_axis_name="s")

    @functools.partial(
        pl.kernel,
        out_type=jax.ShapeDtypeStruct((_NC, N, D), jnp.float32),
        mesh=mesh,
        scratch_types=[
            pltpu.VMEM((per_tile, _CHP), jnp.int32),
            pltpu.VMEM((_CHP,), jnp.int32),
            pltpu.VMEM((_CHP,), jnp.int32),
            pltpu.VMEM((_CHP,), jnp.int32),
            pltpu.VMEM((_CHP,), jnp.int32),
            pltpu.VMEM((_CHP, D), jnp.float32),
            pltpu.VMEM((_CHP, D), jnp.float32),
            pltpu.VMEM_SHARED((N, D), jnp.float32),
            pltpu.SemaphoreType.DMA,
            pltpu.SemaphoreType.DMA,
        ],
    )
    def prop_kernel(g_hbm, pk_hbm, zeros_hbm, out_hbm,
                    pk, sbuf0, dbuf0, sbuf1, dbuf1,
                    rows0, rows1, agg_sh, sem0, sem1):
        cid = lax.axis_index("c")
        sid = lax.axis_index("s")
        w = cid * _NS + sid
        pltpu.sync_copy(pk_hbm.at[w], pk)

        @pl.when(sid == 0)
        def _():
            pltpu.sync_copy(zeros_hbm, agg_sh)

        def unpack(j, sbuf, dbuf):
            for k in range(_CHP // 16):
                v = pk[j, pl.ds(k * 16, 16)]
                sbuf[pl.ds(k * 16, 16)] = lax.shift_right_logical(v, 16)
                dbuf[pl.ds(k * 16, 16)] = lax.bitwise_and(v, 0xFFFF)

        plsc.subcore_barrier()

        unpack(0, sbuf0, dbuf0)
        pltpu.async_copy(g_hbm.at[sbuf0], rows0, sem0)

        def pair(pj, carry):
            j0 = pj * 2
            j1 = j0 + 1
            j2 = jnp.minimum(j0 + 2, per_tile - 1)
            pltpu.make_async_copy(g_hbm.at[sbuf0], rows0, sem0).wait()
            unpack(j1, sbuf1, dbuf1)
            pltpu.async_copy(g_hbm.at[sbuf1], rows1, sem1)
            pltpu.sync_copy(rows0, agg_sh.at[dbuf0], add=True)
            pltpu.make_async_copy(g_hbm.at[sbuf1], rows1, sem1).wait()
            unpack(j2, sbuf0, dbuf0)
            pltpu.async_copy(g_hbm.at[sbuf0], rows0, sem0)
            pltpu.sync_copy(rows1, agg_sh.at[dbuf1], add=True)
            return carry

        lax.fori_loop(0, per_tile // 2, pair, 0)
        pltpu.make_async_copy(g_hbm.at[sbuf0], rows0, sem0).wait()
        pltpu.sync_copy(rows0, agg_sh.at[dbuf0], add=True)
        plsc.subcore_barrier()

        @pl.when(sid == 0)
        def _():
            pltpu.sync_copy(agg_sh, out_hbm.at[cid])

    return prop_kernel


def _tc_b(deg_ref, x_ref, w1_ref, g_ref, ns_ref, nd_ref):
    deg_out = deg_ref[0, :]
    deg_in = deg_ref[1, :]
    ns = jnp.where(deg_out > 0, lax.rsqrt(jnp.maximum(deg_out, 1.0)), 0.0)
    nd = jnp.where(deg_in > 0, lax.rsqrt(jnp.maximum(deg_in, 1.0)), 0.0)
    ns_ref[...] = ns
    nd_ref[...] = nd
    g_ref[...] = jnp.dot(x_ref[...] * ns[:, None], w1_ref[...],
                         preferred_element_type=jnp.float32)


def _tc_c(p_ref, nd_ref, b1_ref, ns_ref, h_ref):
    agg = p_ref[0] + p_ref[1]
    h = agg * nd_ref[...][:, None] + b1_ref[...][None, :]
    h_ref[...] = jnp.maximum(h, 0.0) * ns_ref[...][:, None]


def _tc_d(p_ref, nd_ref, b2_ref, w2_ref, out_ref):
    agg = (p_ref[0] + p_ref[1]) * nd_ref[...][:, None]
    out_ref[...] = jnp.dot(agg, w2_ref[...],
                           preferred_element_type=jnp.float32) + b2_ref[...][None, :]


def kernel(features, edge_index, W1, b1, W2, b2):
    N, D_in = features.shape
    E = edge_index.shape[1]
    D_h = W1.shape[1]
    C = W2.shape[1]

    ei3 = edge_index.reshape(2, E // _CH, _CH)
    pk4 = ((edge_index[0] << 16) | edge_index[1]).reshape(
        _NW, (E // _CHP) // _NW, _CHP)
    zeros0 = jnp.zeros((N,), jnp.float32)
    zeros1 = jnp.zeros((N, D_h), jnp.float32)
    ones_ch = jnp.ones((_CH,), jnp.float32)

    deg = _make_deg(N, E)(ei3, zeros0, ones_ch)

    g1, ns, nd = pl.pallas_call(
        _tc_b,
        out_shape=[
            jax.ShapeDtypeStruct((N, D_h), jnp.float32),
            jax.ShapeDtypeStruct((N,), jnp.float32),
            jax.ShapeDtypeStruct((N,), jnp.float32),
        ],
    )(deg, features, W1)

    prop = _make_prop(N, E, D_h)
    p1 = prop(g1, pk4, zeros1)

    h = pl.pallas_call(
        _tc_c,
        out_shape=jax.ShapeDtypeStruct((N, D_h), jnp.float32),
    )(p1, nd, b1, ns)

    p2 = prop(h, pk4, zeros1)

    out = pl.pallas_call(
        _tc_d,
        out_shape=jax.ShapeDtypeStruct((N, C), jnp.float32),
    )(p2, nd, b2, W2)

    return out

# --- scband reference (transcript-rebuilt; emitter-appended) ---
"""Pipeline reference for scband-gcn-28930899706010 (READ-ONLY COPY).

The authoritative reference and input builder live on the scoring server;
editing this copy changes nothing except your own understanding.
"""

import jax, jax.numpy as jnp
import numpy as np

N = 10000
E = 320000
D_IN = 128
D_H = 128
N_CLASSES = 40


def setup_inputs(seed: int = 0) -> dict:
    key = jax.random.key(seed)
    k1, k2, k3, k4 = jax.random.split(key, 4)
    features = jax.random.normal(k1, (N, D_IN), dtype=jnp.float32)
    edge_index = jax.random.randint(k2, (2, E), 0, N, dtype=jnp.int32)
    W1 = jax.random.normal(k3, (D_IN, D_H), dtype=jnp.float32) * (1.0 / np.sqrt(D_IN))
    b1 = jnp.zeros((D_H,), dtype=jnp.float32)
    W2 = jax.random.normal(k4, (D_H, N_CLASSES), dtype=jnp.float32) * (1.0 / np.sqrt(D_H))
    b2 = jnp.zeros((N_CLASSES,), dtype=jnp.float32)
    return {"features": features, "edge_index": edge_index, "W1": W1, "b1": b1, "W2": W2, "b2": b2}


def _graph_conv(x, W, b, src, dst, norm_src, norm_dst):
    # DGL GraphConv with norm='both': D^{-1/2} A D^{-1/2} X W + b
    h = x * norm_src[:, None]
    h = h @ W
    m = jnp.take(h, src, axis=0)
    agg = jax.ops.segment_sum(m, dst, num_segments=N)
    agg = agg * norm_dst[:, None]
    return agg + b


def reference(features, edge_index, W1, b1, W2, b2):
    src = edge_index[0]
    dst = edge_index[1]
    deg_out = jnp.bincount(src, length=N).astype(jnp.float32)
    deg_in = jnp.bincount(dst, length=N).astype(jnp.float32)
    norm_src = jnp.where(deg_out > 0, 1.0 / jnp.sqrt(jnp.maximum(deg_out, 1.0)), 0.0)
    norm_dst = jnp.where(deg_in > 0, 1.0 / jnp.sqrt(jnp.maximum(deg_in, 1.0)), 0.0)
    h = _graph_conv(features, W1, b1, src, dst, norm_src, norm_dst)
    h = jax.nn.relu(h)
    # dropout is identity in eval mode
    h = _graph_conv(h, W2, b2, src, dst, norm_src, norm_dst)
    return h

if __name__ == "__main__":
    import jax
    _d = setup_inputs()
    print(jax.jit(kernel)(*tuple(_d.values())))

</pallas_src>

<mosaic_0001>
#map = affine_map<(d0, d1) -> (0, 0)>
#map1 = affine_map<(d0, d1) -> (0, 0, 0)>
module attributes {stable_mosaic.version = 14 : i64} {
  func.func @prop_kernel(%arg0: i32, %arg1: i32, %arg2: memref<10000x128xf32, #tpu.memory_space<hbm>>, %arg3: memref<32x125x80xi32, #tpu.memory_space<hbm>>, %arg4: memref<10000x128xf32, #tpu.memory_space<hbm>>, %arg5: memref<2x10000x128xf32, #tpu.memory_space<hbm>>, %arg6: memref<125x80xi32, #tpu.memory_space<vmem>>, %arg7: memref<80xi32, #tpu.memory_space<vmem>>, %arg8: memref<80xi32, #tpu.memory_space<vmem>>, %arg9: memref<80xi32, #tpu.memory_space<vmem>>, %arg10: memref<80xi32, #tpu.memory_space<vmem>>, %arg11: memref<80x128xf32, #tpu.memory_space<vmem>>, %arg12: memref<80x128xf32, #tpu.memory_space<vmem>>, %arg13: memref<10000x128xf32, #tpu.memory_space<vmem_shared>>, %arg14: memref<!tpu.dma_semaphore, #tpu.memory_space<semaphore_mem>>, %arg15: memref<!tpu.dma_semaphore, #tpu.memory_space<semaphore_mem>>) attributes {dimension_semantics = [#tpu.dimension_semantics<core_parallel>, #tpu.dimension_semantics<subcore_parallel>], iteration_bounds = array<i64: 2, 16>, scalar_prefetch = 0 : i64, scratch_operands = 10 : i64, tpu.core_type = #tpu.core_type<sc_vector_subcore>, window_params = [{transform_indices = #map}, {transform_indices = #map1}, {transform_indices = #map}, {transform_indices = #map1}]} {
    %mul3A = arith.constant 16 : i32
    %mul3A_0 = arith.muli %arg0, %mul3A : i32
    %add3A = arith.addi %mul3A_0, %arg1 : i32
    "tpu.region"() ({
      %run_scoped3A = tpu.sem_alloc : memref<!tpu.dma_semaphore, #tpu.memory_space<semaphore_mem>>
      %dma_start3A_109 = arith.constant 0 : i32
      %dma_start3A_110 = arith.constant 0 : i32
      %dma_start3A_111 = tpu.memref_slice %arg3[%add3A, %dma_start3A_109, %dma_start3A_110] : memref<32x125x80xi32, #tpu.memory_space<hbm>> -> memref<1x125x80xi32, #tpu.memory_space<hbm>>
      %dma_start3A_112 = tpu.memref_squeeze %dma_start3A_111 : memref<1x125x80xi32, #tpu.memory_space<hbm>> -> memref<125x80xi32, #tpu.memory_space<hbm>>
      %dma_start3A_113 = arith.constant 0 : i32
      %dma_start3A_114 = arith.constant 0 : i32
      %dma_start3A_115 = tpu.memref_slice %arg3[%add3A, %dma_start3A_113, %dma_start3A_114] : memref<32x125x80xi32, #tpu.memory_space<hbm>> -> memref<1x125x80xi32, #tpu.memory_space<hbm>>
      %dma_start3A_116 = tpu.memref_squeeze %dma_start3A_115 : memref<1x125x80xi32, #tpu.memory_space<hbm>> -> memref<125x80xi32, #tpu.memory_space<hbm>>
      tpu.enqueue_dma source(%dma_start3A_116 : memref<125x80xi32, #tpu.memory_space<hbm>>) target(%arg6 : memref<125x80xi32, #tpu.memory_space<vmem>>) target_semaphore(%run_scoped3A : memref<!tpu.dma_semaphore, #tpu.memory_space<semaphore_mem>>)
      %dma_wait3A_117 = arith.constant 0 : i32
      %dma_wait3A_118 = arith.constant 0 : i32
      %dma_wait3A_119 = tpu.memref_slice %arg3[%add3A, %dma_wait3A_117, %dma_wait3A_118] : memref<32x125x80xi32, #tpu.memory_space<hbm>> -> memref<1x125x80xi32, #tpu.memory_space<hbm>>
      %dma_wait3A_120 = tpu.memref_squeeze %dma_wait3A_119 : memref<1x125x80xi32, #tpu.memory_space<hbm>> -> memref<125x80xi32, #tpu.memory_space<hbm>>
      %dma_wait3A_121 = arith.constant 0 : i32
      %dma_wait3A_122 = arith.constant 0 : i32
      %dma_wait3A_123 = tpu.memref_slice %arg3[%add3A, %dma_wait3A_121, %dma_wait3A_122] : memref<32x125x80xi32, #tpu.memory_space<hbm>> -> memref<1x125x80xi32, #tpu.memory_space<hbm>>
      %dma_wait3A_124 = tpu.memref_squeeze %dma_wait3A_123 : memref<1x125x80xi32, #tpu.memory_space<hbm>> -> memref<125x80xi32, #tpu.memory_space<hbm>>
      tpu.wait_dma2 semaphore(%run_scoped3A : memref<!tpu.dma_semaphore, #tpu.memory_space<semaphore_mem>>) src(%dma_wait3A_124 : memref<125x80xi32, #tpu.memory_space<hbm>>) dst(%arg6 : memref<125x80xi32, #tpu.memory_space<vmem>>)
      tpu.yield
    }) : () -> ()
    %eq3A = arith.constant 0 : i32
    %eq3A_1 = arith.cmpi eq, %arg1, %eq3A : i32
    %convert_element_type3A = arith.extui %eq3A_1 : i1 to i32
    %cond3A = arith.constant 0 : i32
    %cond3A_2 = arith.cmpi ne, %convert_element_type3A, %cond3A : i32
    scf.if %cond3A_2 {
      "tpu.region"() ({
        %run_scoped3A = tpu.sem_alloc : memref<!tpu.dma_semaphore, #tpu.memory_space<semaphore_mem>>
        tpu.enqueue_dma source(%arg4 : memref<10000x128xf32, #tpu.memory_space<hbm>>) target(%arg13 : memref<10000x128xf32, #tpu.memory_space<vmem_shared>>) target_semaphore(%run_scoped3A : memref<!tpu.dma_semaphore, #tpu.memory_space<semaphore_mem>>)
        tpu.wait_dma2 semaphore(%run_scoped3A : memref<!tpu.dma_semaphore, #tpu.memory_space<semaphore_mem>>) src(%arg4 : memref<10000x128xf32, #tpu.memory_space<hbm>>) dst(%arg13 : memref<10000x128xf32, #tpu.memory_space<vmem_shared>>)
        tpu.yield
      }) : () -> ()
    } else {
    }
    %barrier3A = arith.constant 0 : index
    tpu.barrier barrier_id(%barrier3A)
    %get3A = arith.constant 0 : i32
    %get3A_3 = arith.index_cast %get3A : i32 to index
    %get3A_4 = arith.constant 0 : index
    %get3A_5 = tpu.vector_load %arg6[%get3A_3, %get3A_4] {strides = array<i32>} : memref<125x80xi32, #tpu.memory_space<vmem>>, vector<1x16xi32>,
    %get3A_6 = vector.shape_cast %get3A_5 : vector<1x16xi32> to vector<16xi32>
    %shift_right_logical3A = arith.constant 16 : i32
    %shift_right_logical3A_7 = vector.broadcast %shift_right_logical3A : i32 to vector<16xi32>
    %shift_right_logical3A_8 = arith.shrui %get3A_6, %shift_right_logical3A_7 : vector<16xi32>
    %swap3A = arith.constant 0 : index
    %swap3A_9 = tpu.vector_load %arg7[%swap3A] {strides = array<i32>} : memref<80xi32, #tpu.memory_space<vmem>>, vector<16xi32>,
    %swap3A_10 = vector.shape_cast %swap3A_9 : vector<16xi32> to vector<16xi32>
    %swap3A_11 = vector.shape_cast %shift_right_logical3A_8 : vector<16xi32> to vector<16xi32>
    tpu.vector_store %arg7[%swap3A], %swap3A_11 {strides = array<i32>} : memref<80xi32, #tpu.memory_space<vmem>>, vector<16xi32>,
    %and3A = arith.constant 65535 : i32
    %and3A_12 = vector.broadcast %and3A : i32 to vector<16xi32>
    %and3A_13 = arith.andi %get3A_6, %and3A_12 : vector<16xi32>
    %swap3A_14 = arith.constant 0 : index
    %swap3A_15 = tpu.vector_load %arg8[%swap3A_14] {strides = array<i32>} : memref<80xi32, #tpu.memory_space<vmem>>, vector<16xi32>,
    %swap3A_16 = vector.shape_cast %swap3A_15 : vector<16xi32> to vector<16xi32>
    %swap3A_17 = vector.shape_cast %and3A_13 : vector<16xi32> to vector<16xi32>
    tpu.vector_store %arg8[%swap3A_14], %swap3A_17 {strides = array<i32>} : memref<80xi32, #tpu.memory_space<vmem>>, vector<16xi32>,
    %get3A_18 = arith.constant 0 : i32
    %get3A_19 = arith.index_cast %get3A_18 : i32 to index
    %get3A_20 = arith.constant 16 : index
    %get3A_21 = tpu.vector_load %arg6[%get3A_19, %get3A_20] {strides = array<i32>} : memref<125x80xi32, #tpu.memory_space<vmem>>, vector<1x16xi32>,
    %get3A_22 = vector.shape_cast %get3A_21 : vector<1x16xi32> to vector<16xi32>
    %shift_right_logical3A_23 = arith.constant 16 : i32
    %shift_right_logical3A_24 = vector.broadcast %shift_right_logical3A_23 : i32 to vector<16xi32>
    %shift_right_logical3A_25 = arith.shrui %get3A_22, %shift_right_logical3A_24 : vector<16xi32>
    %swap3A_26 = arith.constant 16 : index
    %swap3A_27 = tpu.vector_load %arg7[%swap3A_26] {strides = array<i32>} : memref<80xi32, #tpu.memory_space<vmem>>, vector<16xi32>,
    %swap3A_28 = vector.shape_cast %swap3A_27 : vector<16xi32> to vector<16xi32>
    %swap3A_29 = vector.shape_cast %shift_right_logical3A_25 : vector<16xi32> to vector<16xi32>
    tpu.vector_store %arg7[%swap3A_26], %swap3A_29 {strides = array<i32>} : memref<80xi32, #tpu.memory_space<vmem>>, vector<16xi32>,
    %and3A_30 = arith.constant 65535 : i32
    %and3A_31 = vector.broadcast %and3A_30 : i32 to vector<16xi32>
    %and3A_32 = arith.andi %get3A_22, %and3A_31 : vector<16xi32>
    %swap3A_33 = arith.constant 16 : index
    %swap3A_34 = tpu.vector_load %arg8[%swap3A_33] {strides = array<i32>} : memref<80xi32, #tpu.memory_space<vmem>>, vector<16xi32>,
    %swap3A_35 = vector.shape_cast %swap3A_34 : vector<16xi32> to vector<16xi32>
    %swap3A_36 = vector.shape_cast %and3A_32 : vector<16xi32> to vector<16xi32>
    tpu.vector_store %arg8[%swap3A_33], %swap3A_36 {strides = array<i32>} : memref<80xi32, #tpu.memory_space<vmem>>, vector<16xi32>,
    %get3A_37 = arith.constant 0 : i32
    %get3A_38 = arith.index_cast %get3A_37 : i32 to index
    %get3A_39 = arith.constant 32 : index
    %get3A_40 = tpu.vector_load %arg6[%get3A_38, %get3A_39] {strides = array<i32>} : memref<125x80xi32, #tpu.memory_space<vmem>>, vector<1x16xi32>,
    %get3A_41 = vector.shape_cast %get3A_40 : vector<1x16xi32> to vector<16xi32>
    %shift_right_logical3A_42 = arith.constant 16 : i32
    %shift_right_logical3A_43 = vector.broadcast %shift_right_logical3A_42 : i32 to vector<16xi32>
    %shift_right_logical3A_44 = arith.shrui %get3A_41, %shift_right_logical3A_43 : vector<16xi32>
    %swap3A_45 = arith.constant 32 : index
    %swap3A_46 = tpu.vector_load %arg7[%swap3A_45] {strides = array<i32>} : memref<80xi32, #tpu.memory_space<vmem>>, vector<16xi32>,
    %swap3A_47 = vector.shape_cast %swap3A_46 : vector<16xi32> to vector<16xi32>
    %swap3A_48 = vector.shape_cast %shift_right_logical3A_44 : vector<16xi32> to vector<16xi32>
    tpu.vector_store %arg7[%swap3A_45], %swap3A_48 {strides = array<i32>} : memref<80xi32, #tpu.memory_space<vmem>>, vector<16xi32>,
    %and3A_49 = arith.constant 65535 : i32
    %and3A_50 = vector.broadcast %and3A_49 : i32 to vector<16xi32>
    %and3A_51 = arith.andi %get3A_41, %and3A_50 : vector<16xi32>
    %swap3A_52 = arith.constant 32 : index
    %swap3A_53 = tpu.vector_load %arg8[%swap3A_52] {strides = array<i32>} : memref<80xi32, #tpu.memory_space<vmem>>, vector<16xi32>,
    %swap3A_54 = vector.shape_cast %swap3A_53 : vector<16xi32> to vector<16xi32>
    %swap3A_55 = vector.shape_cast %and3A_51 : vector<16xi32> to vector<16xi32>
    tpu.vector_store %arg8[%swap3A_52], %swap3A_55 {strides = array<i32>} : memref<80xi32, #tpu.memory_space<vmem>>, vector<16xi32>,
    %get3A_56 = arith.constant 0 : i32
    %get3A_57 = arith.index_cast %get3A_56 : i32 to index
    %get3A_58 = arith.constant 48 : index
    %get3A_59 = tpu.vector_load %arg6[%get3A_57, %get3A_58] {strides = array<i32>} : memref<125x80xi32, #tpu.memory_space<vmem>>, vector<1x16xi32>,
    %get3A_60 = vector.shape_cast %get3A_59 : vector<1x16xi32> to vector<16xi32>
    %shift_right_logical3A_61 = arith.constant 16 : i32
    %shift_right_logical3A_62 = vector.broadcast %shift_right_logical3A_61 : i32 to vector<16xi32>
    %shift_right_logical3A_63 = arith.shrui %get3A_60, %shift_right_logical3A_62 : vector<16xi32>
    %swap3A_64 = arith.constant 48 : index
    %swap3A_65 = tpu.vector_load %arg7[%swap3A_64] {strides = array<i32>} : memref<80xi32, #tpu.memory_space<vmem>>, vector<16xi32>,
    %swap3A_66 = vector.shape_cast %swap3A_65 : vector<16xi32> to vector<16xi32>
    %swap3A_67 = vector.shape_cast %shift_right_logical3A_63 : vector<16xi32> to vector<16xi32>
    tpu.vector_store %arg7[%swap3A_64], %swap3A_67 {strides = array<i32>} : memref<80xi32, #tpu.memory_space<vmem>>, vector<16xi32>,
    %and3A_68 = arith.constant 65535 : i32
    %and3A_69 = vector.broadcast %and3A_68 : i32 to vector<16xi32>
    %and3A_70 = arith.andi %get3A_60, %and3A_69 : vector<16xi32>
    %swap3A_71 = arith.constant 48 : index
    %swap3A_72 = tpu.vector_load %arg8[%swap3A_71] {strides = array<i32>} : memref<80xi32, #tpu.memory_space<vmem>>, vector<16xi32>,
    %swap3A_73 = vector.shape_cast %swap3A_72 : vector<16xi32> to vector<16xi32>
    %swap3A_74 = vector.shape_cast %and3A_70 : vector<16xi32> to vector<16xi32>
    tpu.vector_store %arg8[%swap3A_71], %swap3A_74 {strides = array<i32>} : memref<80xi32, #tpu.memory_space<vmem>>, vector<16xi32>,
    %get3A_75 = arith.constant 0 : i32
    %get3A_76 = arith.index_cast %get3A_75 : i32 to index
    %get3A_77 = arith.constant 64 : index
    %get3A_78 = tpu.vector_load %arg6[%get3A_76, %get3A_77] {strides = array<i32>} : memref<125x80xi32, #tpu.memory_space<vmem>>, vector<1x16xi32>,
    %get3A_79 = vector.shape_cast %get3A_78 : vector<1x16xi32> to vector<16xi32>
    %shift_right_logical3A_80 = arith.constant 16 : i32
    %shift_right_logical3A_81 = vector.broadcast %shift_right_logical3A_80 : i32 to vector<16xi32>
    %shift_right_logical3A_82 = arith.shrui %get3A_79, %shift_right_logical3A_81 : vector<16xi32>
    %swap3A_83 = arith.constant 64 : index
    %swap3A_84 = tpu.vector_load %arg7[%swap3A_83] {strides = array<i32>} : memref<80xi32, #tpu.memory_space<vmem>>, vector<16xi32>,
    %swap3A_85 = vector.shape_cast %swap3A_84 : vector<16xi32> to vector<16xi32>
    %swap3A_86 = vector.shape_cast %shift_right_logical3A_82 : vector<16xi32> to vector<16xi32>
    tpu.vector_store %arg7[%swap3A_83], %swap3A_86 {strides = array<i32>} : memref<80xi32, #tpu.memory_space<vmem>>, vector<16xi32>,
    %and3A_87 = arith.constant 65535 : i32
    %and3A_88 = vector.broadcast %and3A_87 : i32 to vector<16xi32>
    %and3A_89 = arith.andi %get3A_79, %and3A_88 : vector<16xi32>
    %swap3A_90 = arith.constant 64 : index
    %swap3A_91 = tpu.vector_load %arg8[%swap3A_90] {strides = array<i32>} : memref<80xi32, #tpu.memory_space<vmem>>, vector<16xi32>,
    %swap3A_92 = vector.shape_cast %swap3A_91 : vector<16xi32> to vector<16xi32>
    %swap3A_93 = vector.shape_cast %and3A_89 : vector<16xi32> to vector<16xi32>
    tpu.vector_store %arg8[%swap3A_90], %swap3A_93 {strides = array<i32>} : memref<80xi32, #tpu.memory_space<vmem>>, vector<16xi32>,
    %dma_start3A = arith.constant 0 : i32
    %dma_start3A_94 = arith.constant 0 : i32
    %dma_start3A_95 = tpu.memref_slice %arg2[%dma_start3A, %dma_start3A_94] : memref<10000x128xf32, #tpu.memory_space<hbm>> -> memref<10000x128xf32, #tpu.memory_space<hbm>>
    tpu.enqueue_indirect_dma source(%dma_start3A_95 : memref<10000x128xf32, #tpu.memory_space<hbm>>) target(%arg11 : memref<80x128xf32, #tpu.memory_space<vmem>>) offsets(%arg7 : memref<80xi32, #tpu.memory_space<vmem>>) semaphore(%arg14 : memref<!tpu.dma_semaphore, #tpu.memory_space<semaphore_mem>>)
    %scan3A = arith.constant 0 : i32
    %scan3A_96 = arith.constant 0 : i32
    %scan3A_97 = arith.constant 62 : i32
    %scan3A_98 = arith.addi %scan3A_96, %scan3A_97 : i32
    %scan3A_99 = arith.constant 1 : i32
    scf.for %scan3A_109 = %scan3A_96 to %scan3A_98 step %scan3A_99  : i32 {
      %mul3A_110 = arith.constant 2 : i32
      %mul3A_111 = arith.muli %scan3A_109, %mul3A_110 : i32
      %add3A_112 = arith.constant 1 : i32
      %add3A_113 = arith.addi %mul3A_111, %add3A_112 : i32
      %add3A_114 = arith.constant 2 : i32
      %add3A_115 = arith.addi %mul3A_111, %add3A_114 : i32
      %min3A = arith.constant 124 : i32
      %min3A_116 = arith.minsi %add3A_115, %min3A : i32
      %dma_wait3A_117 = arith.constant 0 : i32
      %dma_wait3A_118 = arith.constant 0 : i32
      %dma_wait3A_119 = tpu.memref_slice %arg2[%dma_wait3A_117, %dma_wait3A_118] : memref<10000x128xf32, #tpu.memory_space<hbm>> -> memref<10000x128xf32, #tpu.memory_space<hbm>>
      tpu.wait_indirect_dma semaphore(%arg14 : memref<!tpu.dma_semaphore, #tpu.memory_space<semaphore_mem>>) src(%dma_wait3A_119 : memref<10000x128xf32, #tpu.memory_space<hbm>>) dst(%arg11 : memref<80x128xf32, #tpu.memory_space<vmem>>)
      %get3A_120 = arith.index_cast %add3A_113 : i32 to index
      %get3A_121 = arith.constant 0 : index
      %get3A_122 = tpu.vector_load %arg6[%get3A_120, %get3A_121] {strides = array<i32>} : memref<125x80xi32, #tpu.memory_space<vmem>>, vector<1x16xi32>,
      %get3A_123 = vector.shape_cast %get3A_122 : vector<1x16xi32> to vector<16xi32>
      %shift_right_logical3A_124 = arith.constant 16 : i32
      %shift_right_logical3A_125 = vector.broadcast %shift_right_logical3A_124 : i32 to vector<16xi32>
      %shift_right_logical3A_126 = arith.shrui %get3A_123, %shift_right_logical3A_125 : vector<16xi32>
      %swap3A_127 = arith.constant 0 : index
      %swap3A_128 = tpu.vector_load %arg9[%swap3A_127] {strides = array<i32>} : memref<80xi32, #tpu.memory_space<vmem>>, vector<16xi32>,
      %swap3A_129 = vector.shape_cast %swap3A_128 : vector<16xi32> to vector<16xi32>
      %swap3A_130 = vector.shape_cast %shift_right_logical3A_126 : vector<16xi32> to vector<16xi32>
      tpu.vector_store %arg9[%swap3A_127], %swap3A_130 {strides = array<i32>} : memref<80xi32, #tpu.memory_space<vmem>>, vector<16xi32>,
      %and3A_131 = arith.constant 65535 : i32
      %and3A_132 = vector.broadcast %and3A_131 : i32 to vector<16xi32>
      %and3A_133 = arith.andi %get3A_123, %and3A_132 : vector<16xi32>
      %swap3A_134 = arith.constant 0 : index
      %swap3A_135 = tpu.vector_load %arg10[%swap3A_134] {strides = array<i32>} : memref<80xi32, #tpu.memory_space<vmem>>, vector<16xi32>,
      %swap3A_136 = vector.shape_cast %swap3A_135 : vector<16xi32> to vector<16xi32>
      %swap3A_137 = vector.shape_cast %and3A_133 : vector<16xi32> to vector<16xi32>
      tpu.vector_store %arg10[%swap3A_134], %swap3A_137 {strides = array<i32>} : memref<80xi32, #tpu.memory_space<vmem>>, vector<16xi32>,
      %get3A_138 = arith.index_cast %add3A_113 : i32 to index
      %get3A_139 = arith.constant 16 : index
      %get3A_140 = tpu.vector_load %arg6[%get3A_138, %get3A_139] {strides = array<i32>} : memref<125x80xi32, #tpu.memory_space<vmem>>, vector<1x16xi32>,
      %get3A_141 = vector.shape_cast %get3A_140 : vector<1x16xi32> to vector<16xi32>
      %shift_right_logical3A_142 = arith.constant 16 : i32
      %shift_right_logical3A_143 = vector.broadcast %shift_right_logical3A_142 : i32 to vector<16xi32>
      %shift_right_logical3A_144 = arith.shrui %get3A_141, %shift_right_logical3A_143 : vector<16xi32>
      %swap3A_145 = arith.constant 16 : index
      %swap3A_146 = tpu.vector_load %arg9[%swap3A_145] {strides = array<i32>} : memref<80xi32, #tpu.memory_space<vmem>>, vector<16xi32>,
      %swap3A_147 = vector.shape_cast %swap3A_146 : vector<16xi32> to vector<16xi32>
      %swap3A_148 = vector.shape_cast %shift_right_logical3A_144 : vector<16xi32> to vector<16xi32>
      tpu.vector_store %arg9[%swap3A_145], %swap3A_148 {strides = array<i32>} : memref<80xi32, #tpu.memory_space<vmem>>, vector<16xi32>,
      %and3A_149 = arith.constant 65535 : i32
      %and3A_150 = vector.broadcast %and3A_149 : i32 to vector<16xi32>
      %and3A_151 = arith.andi %get3A_141, %and3A_150 : vector<16xi32>
      %swap3A_152 = arith.constant 16 : index
      %swap3A_153 = tpu.vector_load %arg10[%swap3A_152] {strides = array<i32>} : memref<80xi32, #tpu.memory_space<vmem>>, vector<16xi32>,
      %swap3A_154 = vector.shape_cast %swap3A_153 : vector<16xi32> to vector<16xi32>
      %swap3A_155 = vector.shape_cast %and3A_151 : vector<16xi32> to vector<16xi32>
      tpu.vector_store %arg10[%swap3A_152], %swap3A_155 {strides = array<i32>} : memref<80xi32, #tpu.memory_space<vmem>>, vector<16xi32>,
      %get3A_156 = arith.index_cast %add3A_113 : i32 to index
      %get3A_157 = arith.constant 32 : index
      %get3A_158 = tpu.vector_load %arg6[%get3A_156, %get3A_157] {strides = array<i32>} : memref<125x80xi32, #tpu.memory_space<vmem>>, vector<1x16xi32>,
      %get3A_159 = vector.shape_cast %get3A_158 : vector<1x16xi32> to vector<16xi32>
      %shift_right_logical3A_160 = arith.constant 16 : i32
      %shift_right_logical3A_161 = vector.broadcast %shift_right_logical3A_160 : i32 to vector<16xi32>
      %shift_right_logical3A_162 = arith.shrui %get3A_159, %shift_right_logical3A_161 : vector<16xi32>
      %swap3A_163 = arith.constant 32 : index
      %swap3A_164 = tpu.vector_load %arg9[%swap3A_163] {strides = array<i32>} : memref<80xi32, #tpu.memory_space<vmem>>, vector<16xi32>,
      %swap3A_165 = vector.shape_cast %swap3A_164 : vector<16xi32> to vector<16xi32>
      %swap3A_166 = vector.shape_cast %shift_right_logical3A_162 : vector<16xi32> to vector<16xi32>
      tpu.vector_store %arg9[%swap3A_163], %swap3A_166 {strides = array<i32>} : memref<80xi32, #tpu.memory_space<vmem>>, vector<16xi32>,
      %and3A_167 = arith.constant 65535 : i32
      %and3A_168 = vector.broadcast %and3A_167 : i32 to vector<16xi32>
      %and3A_169 = arith.andi %get3A_159, %and3A_168 : vector<16xi32>
      %swap3A_170 = arith.constant 32 : index
      %swap3A_171 = tpu.vector_load %arg10[%swap3A_170] {strides = array<i32>} : memref<80xi32, #tpu.memory_space<vmem>>, vector<16xi32>,
      %swap3A_172 = vector.shape_cast %swap3A_171 : vector<16xi32> to vector<16xi32>
      %swap3A_173 = vector.shape_cast %and3A_169 : vector<16xi32> to vector<16xi32>
      tpu.vector_store %arg10[%swap3A_170], %swap3A_173 {strides = array<i32>} : memref<80xi32, #tpu.memory_space<vmem>>, vector<16xi32>,
      %get3A_174 = arith.index_cast %add3A_113 : i32 to index
      %get3A_175 = arith.constant 48 : index
      %get3A_176 = tpu.vector_load %arg6[%get3A_174, %get3A_175] {strides = array<i32>} : memref<125x80xi32, #tpu.memory_space<vmem>>, vector<1x16xi32>,
      %get3A_177 = vector.shape_cast %get3A_176 : vector<1x16xi32> to vector<16xi32>
      %shift_right_logical3A_178 = arith.constant 16 : i32
      %shift_right_logical3A_179 = vector.broadcast %shift_right_logical3A_178 : i32 to vector<16xi32>
      %shift_right_logical3A_180 = arith.shrui %get3A_177, %shift_right_logical3A_179 : vector<16xi32>
      %swap3A_181 = arith.constant 48 : index
      %swap3A_182 = tpu.vector_load %arg9[%swap3A_181] {strides = array<i32>} : memref<80xi32, #tpu.memory_space<vmem>>, vector<16xi32>,
      %swap3A_183 = vector.shape_cast %swap3A_182 : vector<16xi32> to vector<16xi32>
      %swap3A_184 = vector.shape_cast %shift_right_logical3A_180 : vector<16xi32> to vector<16xi32>
      tpu.vector_store %arg9[%swap3A_181], %swap3A_184 {strides = array<i32>} : memref<80xi32, #tpu.memory_space<vmem>>, vector<16xi32>,
      %and3A_185 = arith.constant 65535 : i32
      %and3A_186 = vector.broadcast %and3A_185 : i32 to vector<16xi32>
      %and3A_187 = arith.andi %get3A_177, %and3A_186 : vector<16xi32>
      %swap3A_188 = arith.constant 48 : index
      %swap3A_189 = tpu.vector_load %arg10[%swap3A_188] {strides = array<i32>} : memref<80xi32, #tpu.memory_space<vmem>>, vector<16xi32>,
      %swap3A_190 = vector.shape_cast %swap3A_189 : vector<16xi32> to vector<16xi32>
      %swap3A_191 = vector.shape_cast %and3A_187 : vector<16xi32> to vector<16xi32>
      tpu.vector_store %arg10[%swap3A_188], %swap3A_191 {strides = array<i32>} : memref<80xi32, #tpu.memory_space<vmem>>, vector<16xi32>,
      %get3A_192 = arith.index_cast %add3A_113 : i32 to index
      %get3A_193 = arith.constant 64 : index
      %get3A_194 = tpu.vector_load %arg6[%get3A_192, %get3A_193] {strides = array<i32>} : memref<125x80xi32, #tpu.memory_space<vmem>>, vector<1x16xi32>,
      %get3A_195 = vector.shape_cast %get3A_194 : vector<1x16xi32> to vector<16xi32>
      %shift_right_logical3A_196 = arith.constant 16 : i32
      %shift_right_logical3A_197 = vector.broadcast %shift_right_logical3A_196 : i32 to vector<16xi32>
      %shift_right_logical3A_198 = arith.shrui %get3A_195, %shift_right_logical3A_197 : vector<16xi32>
      %swap3A_199 = arith.constant 64 : index
      %swap3A_200 = tpu.vector_load %arg9[%swap3A_199] {strides = array<i32>} : memref<80xi32, #tpu.memory_space<vmem>>, vector<16xi32>,
      %swap3A_201 = vector.shape_cast %swap3A_200 : vector<16xi32> to vector<16xi32>
      %swap3A_202 = vector.shape_cast %shift_right_logical3A_198 : vector<16xi32> to vector<16xi32>
      tpu.vector_store %arg9[%swap3A_199], %swap3A_202 {strides = array<i32>} : memref<80xi32, #tpu.memory_space<vmem>>, vector<16xi32>,
      %and3A_203 = arith.constant 65535 : i32
      %and3A_204 = vector.broadcast %and3A_203 : i32 to vector<16xi32>
      %and3A_205 = arith.andi %get3A_195, %and3A_204 : vector<16xi32>
      %swap3A_206 = arith.constant 64 : index
      %swap3A_207 = tpu.vector_load %arg10[%swap3A_206] {strides = array<i32>} : memref<80xi32, #tpu.memory_space<vmem>>, vector<16xi32>,
      %swap3A_208 = vector.shape_cast %swap3A_207 : vector<16xi32> to vector<16xi32>
      %swap3A_209 = vector.shape_cast %and3A_205 : vector<16xi32> to vector<16xi32>
      tpu.vector_store %arg10[%swap3A_206], %swap3A_209 {strides = array<i32>} : memref<80xi32, #tpu.memory_space<vmem>>, vector<16xi32>,
      %dma_start3A_210 = arith.constant 0 : i32
      %dma_start3A_211 = arith.constant 0 : i32
      %dma_start3A_212 = tpu.memref_slice %arg2[%dma_start3A_210, %dma_start3A_211] : memref<10000x128xf32, #tpu.memory_space<hbm>> -> memref<10000x128xf32, #tpu.memory_space<hbm>>
      tpu.enqueue_indirect_dma source(%dma_start3A_212 : memref<10000x128xf32, #tpu.memory_space<hbm>>) target(%arg12 : memref<80x128xf32, #tpu.memory_space<vmem>>) offsets(%arg9 : memref<80xi32, #tpu.memory_space<vmem>>) semaphore(%arg15 : memref<!tpu.dma_semaphore, #tpu.memory_space<semaphore_mem>>)
      "tpu.region"() ({
        %run_scoped3A = tpu.sem_alloc : memref<!tpu.dma_semaphore, #tpu.memory_space<semaphore_mem>>
        %dma_start3A_309 = arith.constant 0 : i32
        %dma_start3A_310 = arith.constant 0 : i32
        %dma_start3A_311 = tpu.memref_slice %arg13[%dma_start3A_309, %dma_start3A_310] : memref<10000x128xf32, #tpu.memory_space<vmem_shared>> -> memref<10000x128xf32, #tpu.memory_space<vmem_shared>>
        tpu.enqueue_indirect_dma source(%arg11 : memref<80x128xf32, #tpu.memory_space<vmem>>) target(%dma_start3A_311 : memref<10000x128xf32, #tpu.memory_space<vmem_shared>>) offsets(%arg8 : memref<80xi32, #tpu.memory_space<vmem>>) semaphore(%run_scoped3A : memref<!tpu.dma_semaphore, #tpu.memory_space<semaphore_mem>>) {add = true}
        %dma_wait3A_312 = arith.constant 0 : i32
        %dma_wait3A_313 = arith.constant 0 : i32
        %dma_wait3A_314 = tpu.memref_slice %arg13[%dma_wait3A_312, %dma_wait3A_313] : memref<10000x128xf32, #tpu.memory_space<vmem_shared>> -> memref<10000x128xf32, #tpu.memory_space<vmem_shared>>
        tpu.wait_indirect_dma semaphore(%run_scoped3A : memref<!tpu.dma_semaphore, #tpu.memory_space<semaphore_mem>>) src(%arg11 : memref<80x128xf32, #tpu.memory_space<vmem>>) dst(%dma_wait3A_314 : memref<10000x128xf32, #tpu.memory_space<vmem_shared>>)
        tpu.yield
      }) : () -> ()
      %dma_wait3A_213 = arith.constant 0 : i32
      %dma_wait3A_214 = arith.constant 0 : i32
      %dma_wait3A_215 = tpu.memref_slice %arg2[%dma_wait3A_213, %dma_wait3A_214] : memref<10000x128xf32, #tpu.memory_space<hbm>> -> memref<10000x128xf32, #tpu.memory_space<hbm>>
      tpu.wait_indirect_dma semaphore(%arg15 : memref<!tpu.dma_semaphore, #tpu.memory_space<semaphore_mem>>) src(%dma_wait3A_215 : memref<10000x128xf32, #tpu.memory_space<hbm>>) dst(%arg12 : memref<80x128xf32, #tpu.memory_space<vmem>>)
      %get3A_216 = arith.index_cast %min3A_116 : i32 to index
      %get3A_217 = arith.constant 0 : index
      %get3A_218 = tpu.vector_load %arg6[%get3A_216, %get3A_217] {strides = array<i32>} : memref<125x80xi32, #tpu.memory_space<vmem>>, vector<1x16xi32>,
      %get3A_219 = vector.shape_cast %get3A_218 : vector<1x16xi32> to vector<16xi32>
      %shift_right_logical3A_220 = arith.constant 16 : i32
      %shift_right_logical3A_221 = vector.broadcast %shift_right_logical3A_220 : i32 to vector<16xi32>
      %shift_right_logical3A_222 = arith.shrui %get3A_219, %shift_right_logical3A_221 : vector<16xi32>
      %swap3A_223 = arith.constant 0 : index
      %swap3A_224 = tpu.vector_load %arg7[%swap3A_223] {strides = array<i32>} : memref<80xi32, #tpu.memory_space<vmem>>, vector<16xi32>,
      %swap3A_225 = vector.shape_cast %swap3A_224 : vector<16xi32> to vector<16xi32>
      %swap3A_226 = vector.shape_cast %shift_right_logical3A_222 : vector<16xi32> to vector<16xi32>
      tpu.vector_store %arg7[%swap3A_223], %swap3A_226 {strides = array<i32>} : memref<80xi32, #tpu.memory_space<vmem>>, vector<16xi32>,
      %and3A_227 = arith.constant 65535 : i32
      %and3A_228 = vector.broadcast %and3A_227 : i32 to vector<16xi32>
      %and3A_229 = arith.andi %get3A_219, %and3A_228 : vector<16xi32>
      %swap3A_230 = arith.constant 0 : index
      %swap3A_231 = tpu.vector_load %arg8[%swap3A_230] {strides = array<i32>} : memref<80xi32, #tpu.memory_space<vmem>>, vector<16xi32>,
      %swap3A_232 = vector.shape_cast %swap3A_231 : vector<16xi32> to vector<16xi32>
      %swap3A_233 = vector.shape_cast %and3A_229 : vector<16xi32> to vector<16xi32>
      tpu.vector_store %arg8[%swap3A_230], %swap3A_233 {strides = array<i32>} : memref<80xi32, #tpu.memory_space<vmem>>, vector<16xi32>,
      %get3A_234 = arith.index_cast %min3A_116 : i32 to index
      %get3A_235 = arith.constant 16 : index
      %get3A_236 = tpu.vector_load %arg6[%get3A_234, %get3A_235] {strides = array<i32>} : memref<125x80xi32, #tpu.memory_space<vmem>>, vector<1x16xi32>,
      %get3A_237 = vector.shape_cast %get3A_236 : vector<1x16xi32> to vector<16xi32>
      %shift_right_logical3A_238 = arith.constant 16 : i32
      %shift_right_logical3A_239 = vector.broadcast %shift_right_logical3A_238 : i32 to vector<16xi32>
      %shift_right_logical3A_240 = arith.shrui %get3A_237, %shift_right_logical3A_239 : vector<16xi32>
      %swap3A_241 = arith.constant 16 : index
      %swap3A_242 = tpu.vector_load %arg7[%swap3A_241] {strides = array<i32>} : memref<80xi32, #tpu.memory_space<vmem>>, vector<16xi32>,
      %swap3A_243 = vector.shape_cast %swap3A_242 : vector<16xi32> to vector<16xi32>
      %swap3A_244 = vector.shape_cast %shift_right_logical3A_240 : vector<16xi32> to vector<16xi32>
      tpu.vector_store %arg7[%swap3A_241], %swap3A_244 {strides = array<i32>} : memref<80xi32, #tpu.memory_space<vmem>>, vector<16xi32>,
      %and3A_245 = arith.constant 65535 : i32
      %and3A_246 = vector.broadcast %and3A_245 : i32 to vector<16xi32>
      %and3A_247 = arith.andi %get3A_237, %and3A_246 : vector<16xi32>
      %swap3A_248 = arith.constant 16 : index
      %swap3A_249 = tpu.vector_load %arg8[%swap3A_248] {strides = array<i32>} : memref<80xi32, #tpu.memory_space<vmem>>, vector<16xi32>,
      %swap3A_250 = vector.shape_cast %swap3A_249 : vector<16xi32> to vector<16xi32>
      %swap3A_251 = vector.shape_cast %and3A_247 : vector<16xi32> to vector<16xi32>
      tpu.vector_store %arg8[%swap3A_248], %swap3A_251 {strides = array<i32>} : memref<80xi32, #tpu.memory_space<vmem>>, vector<16xi32>,
      %get3A_252 = arith.index_cast %min3A_116 : i32 to index
      %get3A_253 = arith.constant 32 : index
      %get3A_254 = tpu.vector_load %arg6[%get3A_252, %get3A_253] {strides = array<i32>} : memref<125x80xi32, #tpu.memory_space<vmem>>, vector<1x16xi32>,
      %get3A_255 = vector.shape_cast %get3A_254 : vector<1x16xi32> to vector<16xi32>
      %shift_right_logical3A_256 = arith.constant 16 : i32
      %shift_right_logical3A_257 = vector.broadcast %shift_right_logical3A_256 : i32 to vector<16xi32>
      %shift_right_logical3A_258 = arith.shrui %get3A_255, %shift_right_logical3A_257 : vector<16xi32>
      %swap3A_259 = arith.constant 32 : index
      %swap3A_260 = tpu.vector_load %arg7[%swap3A_259] {strides = array<i32>} : memref<80xi32, #tpu.memory_space<vmem>>, vector<16xi32>,
      %swap3A_261 = vector.shape_cast %swap3A_260 : vector<16xi32> to vector<16xi32>
      %swap3A_262 = vector.shape_cast %shift_right_logical3A_258 : vector<16xi32> to vector<16xi32>
      tpu.vector_store %arg7[%swap3A_259], %swap3A_262 {strides = array<i32>} : memref<80xi32, #tpu.memory_space<vmem>>, vector<16xi32>,
      %and3A_263 = arith.constant 65535 : i32
      %and3A_264 = vector.broadcast %and3A_263 : i32 to vector<16xi32>
      %and3A_265 = arith.andi %get3A_255, %and3A_264 : vector<16xi32>
      %swap3A_266 = arith.constant 32 : index
      %swap3A_267 = tpu.vector_load %arg8[%swap3A_266] {strides = array<i32>} : memref<80xi32, #tpu.memory_space<vmem>>, vector<16xi32>,
      %swap3A_268 = vector.shape_cast %swap3A_267 : vector<16xi32> to vector<16xi32>
      %swap3A_269 = vector.shape_cast %and3A_265 : vector<16xi32> to vector<16xi32>
      tpu.vector_store %arg8[%swap3A_266], %swap3A_269 {strides = array<i32>} : memref<80xi32, #tpu.memory_space<vmem>>, vector<16xi32>,
      %get3A_270 = arith.index_cast %min3A_116 : i32 to index
      %get3A_271 = arith.constant 48 : index
      %get3A_272 = tpu.vector_load %arg6[%get3A_270, %get3A_271] {strides = array<i32>} : memref<125x80xi32, #tpu.memory_space<vmem>>, vector<1x16xi32>,
      %get3A_273 = vector.shape_cast %get3A_272 : vector<1x16xi32> to vector<16xi32>
      %shift_right_logical3A_274 = arith.constant 16 : i32
      %shift_right_logical3A_275 = vector.broadcast %shift_right_logical3A_274 : i32 to vector<16xi32>
      %shift_right_logical3A_276 = arith.shrui %get3A_273, %shift_right_logical3A_275 : vector<16xi32>
      %swap3A_277 = arith.constant 48 : index
      %swap3A_278 = tpu.vector_load %arg7[%swap3A_277] {strides = array<i32>} : memref<80xi32, #tpu.memory_space<vmem>>, vector<16xi32>,
      %swap3A_279 = vector.shape_cast %swap3A_278 : vector<16xi32> to vector<16xi32>
      %swap3A_280 = vector.shape_cast %shift_right_logical3A_276 : vector<16xi32> to vector<16xi32>
      tpu.vector_store %arg7[%swap3A_277], %swap3A_280 {strides = array<i32>} : memref<80xi32, #tpu.memory_space<vmem>>, vector<16xi32>,
      %and3A_281 = arith.constant 65535 : i32
      %and3A_282 = vector.broadcast %and3A_281 : i32 to vector<16xi32>
      %and3A_283 = arith.andi %get3A_273, %and3A_282 : vector<16xi32>
      %swap3A_284 = arith.constant 48 : index
      %swap3A_285 = tpu.vector_load %arg8[%swap3A_284] {strides = array<i32>} : memref<80xi32, #tpu.memory_space<vmem>>, vector<16xi32>,
      %swap3A_286 = vector.shape_cast %swap3A_285 : vector<16xi32> to vector<16xi32>
      %swap3A_287 = vector.shape_cast %and3A_283 : vector<16xi32> to vector<16xi32>
      tpu.vector_store %arg8[%swap3A_284], %swap3A_287 {strides = array<i32>} : memref<80xi32, #tpu.memory_space<vmem>>, vector<16xi32>,
      %get3A_288 = arith.index_cast %min3A_116 : i32 to index
      %get3A_289 = arith.constant 64 : index
      %get3A_290 = tpu.vector_load %arg6[%get3A_288, %get3A_289] {strides = array<i32>} : memref<125x80xi32, #tpu.memory_space<vmem>>, vector<1x16xi32>,
      %get3A_291 = vector.shape_cast %get3A_290 : vector<1x16xi32> to vector<16xi32>
      %shift_right_logical3A_292 = arith.constant 16 : i32
      %shift_right_logical3A_293 = vector.broadcast %shift_right_logical3A_292 : i32 to vector<16xi32>
      %shift_right_logical3A_294 = arith.shrui %get3A_291, %shift_right_logical3A_293 : vector<16xi32>
      %swap3A_295 = arith.constant 64 : index
      %swap3A_296 = tpu.vector_load %arg7[%swap3A_295] {strides = array<i32>} : memref<80xi32, #tpu.memory_space<vmem>>, vector<16xi32>,
      %swap3A_297 = vector.shape_cast %swap3A_296 : vector<16xi32> to vector<16xi32>
      %swap3A_298 = vector.shape_cast %shift_right_logical3A_294 : vector<16xi32> to vector<16xi32>
      tpu.vector_store %arg7[%swap3A_295], %swap3A_298 {strides = array<i32>} : memref<80xi32, #tpu.memory_space<vmem>>, vector<16xi32>,
      %and3A_299 = arith.constant 65535 : i32
      %and3A_300 = vector.broadcast %and3A_299 : i32 to vector<16xi32>
      %and3A_301 = arith.andi %get3A_291, %and3A_300 : vector<16xi32>
      %swap3A_302 = arith.constant 64 : index
      %swap3A_303 = tpu.vector_load %arg8[%swap3A_302] {strides = array<i32>} : memref<80xi32, #tpu.memory_space<vmem>>, vector<16xi32>,
      %swap3A_304 = vector.shape_cast %swap3A_303 : vector<16xi32> to vector<16xi32>
      %swap3A_305 = vector.shape_cast %and3A_301 : vector<16xi32> to vector<16xi32>
      tpu.vector_store %arg8[%swap3A_302], %swap3A_305 {strides = array<i32>} : memref<80xi32, #tpu.memory_space<vmem>>, vector<16xi32>,
      %dma_start3A_306 = arith.constant 0 : i32
      %dma_start3A_307 = arith.constant 0 : i32
      %dma_start3A_308 = tpu.memref_slice %arg2[%dma_start3A_306, %dma_start3A_307] : memref<10000x128xf32, #tpu.memory_space<hbm>> -> memref<10000x128xf32, #tpu.memory_space<hbm>>
      tpu.enqueue_indirect_dma source(%dma_start3A_308 : memref<10000x128xf32, #tpu.memory_space<hbm>>) target(%arg11 : memref<80x128xf32, #tpu.memory_space<vmem>>) offsets(%arg7 : memref<80xi32, #tpu.memory_space<vmem>>) semaphore(%arg14 : memref<!tpu.dma_semaphore, #tpu.memory_space<semaphore_mem>>)
      "tpu.region"() ({
        %run_scoped3A = tpu.sem_alloc : memref<!tpu.dma_semaphore, #tpu.memory_space<semaphore_mem>>
        %dma_start3A_309 = arith.constant 0 : i32
        %dma_start3A_310 = arith.constant 0 : i32
        %dma_start3A_311 = tpu.memref_slice %arg13[%dma_start3A_309, %dma_start3A_310] : memref<10000x128xf32, #tpu.memory_space<vmem_shared>> -> memref<10000x128xf32, #tpu.memory_space<vmem_shared>>
        tpu.enqueue_indirect_dma source(%arg12 : memref<80x128xf32, #tpu.memory_space<vmem>>) target(%dma_start3A_311 : memref<10000x128xf32, #tpu.memory_space<vmem_shared>>) offsets(%arg10 : memref<80xi32, #tpu.memory_space<vmem>>) semaphore(%run_scoped3A : memref<!tpu.dma_semaphore, #tpu.memory_space<semaphore_mem>>) {add = true}
        %dma_wait3A_312 = arith.constant 0 : i32
        %dma_wait3A_313 = arith.constant 0 : i32
        %dma_wait3A_314 = tpu.memref_slice %arg13[%dma_wait3A_312, %dma_wait3A_313] : memref<10000x128xf32, #tpu.memory_space<vmem_shared>> -> memref<10000x128xf32, #tpu.memory_space<vmem_shared>>
        tpu.wait_indirect_dma semaphore(%run_scoped3A : memref<!tpu.dma_semaphore, #tpu.memory_space<semaphore_mem>>) src(%arg12 : memref<80x128xf32, #tpu.memory_space<vmem>>) dst(%dma_wait3A_314 : memref<10000x128xf32, #tpu.memory_space<vmem_shared>>)
        tpu.yield
      }) : () -> ()
    }
    %scan3A_100 = arith.constant 62 : i32
    %dma_wait3A = arith.constant 0 : i32
    %dma_wait3A_101 = arith.constant 0 : i32
    %dma_wait3A_102 = tpu.memref_slice %arg2[%dma_wait3A, %dma_wait3A_101] : memref<10000x128xf32, #tpu.memory_space<hbm>> -> memref<10000x128xf32, #tpu.memory_space<hbm>>
    tpu.wait_indirect_dma semaphore(%arg14 : memref<!tpu.dma_semaphore, #tpu.memory_space<semaphore_mem>>) src(%dma_wait3A_102 : memref<10000x128xf32, #tpu.memory_space<hbm>>) dst(%arg11 : memref<80x128xf32, #tpu.memory_space<vmem>>)
    "tpu.region"() ({
      %run_scoped3A = tpu.sem_alloc : memref<!tpu.dma_semaphore, #tpu.memory_space<semaphore_mem>>
      %dma_start3A_109 = arith.constant 0 : i32
      %dma_start3A_110 = arith.constant 0 : i32
      %dma_start3A_111 = tpu.memref_slice %arg13[%dma_start3A_109, %dma_start3A_110] : memref<10000x128xf32, #tpu.memory_space<vmem_shared>> -> memref<10000x128xf32, #tpu.memory_space<vmem_shared>>
      tpu.enqueue_indirect_dma source(%arg11 : memref<80x128xf32, #tpu.memory_space<vmem>>) target(%dma_start3A_111 : memref<10000x128xf32, #tpu.memory_space<vmem_shared>>) offsets(%arg8 : memref<80xi32, #tpu.memory_space<vmem>>) semaphore(%run_scoped3A : memref<!tpu.dma_semaphore, #tpu.memory_space<semaphore_mem>>) {add = true}
      %dma_wait3A_112 = arith.constant 0 : i32
      %dma_wait3A_113 = arith.constant 0 : i32
      %dma_wait3A_114 = tpu.memref_slice %arg13[%dma_wait3A_112, %dma_wait3A_113] : memref<10000x128xf32, #tpu.memory_space<vmem_shared>> -> memref<10000x128xf32, #tpu.memory_space<vmem_shared>>
      tpu.wait_indirect_dma semaphore(%run_scoped3A : memref<!tpu.dma_semaphore, #tpu.memory_space<semaphore_mem>>) src(%arg11 : memref<80x128xf32, #tpu.memory_space<vmem>>) dst(%dma_wait3A_114 : memref<10000x128xf32, #tpu.memory_space<vmem_shared>>)
      tpu.yield
    }) : () -> ()
    %barrier3A_103 = arith.constant 0 : index
    tpu.barrier barrier_id(%barrier3A_103)
    %eq3A_104 = arith.constant 0 : i32
    %eq3A_105 = arith.cmpi eq, %arg1, %eq3A_104 : i32
    %convert_element_type3A_106 = arith.extui %eq3A_105 : i1 to i32
    %cond3A_107 = arith.constant 0 : i32
    %cond3A_108 = arith.cmpi ne, %convert_element_type3A_106, %cond3A_107 : i32
    scf.if %cond3A_108 {
      "tpu.region"() ({
        %run_scoped3A = tpu.sem_alloc : memref<!tpu.dma_semaphore, #tpu.memory_space<semaphore_mem>>
        %dma_start3A_109 = arith.constant 0 : i32
        %dma_start3A_110 = arith.constant 0 : i32
        %dma_start3A_111 = tpu.memref_slice %arg5[%arg0, %dma_start3A_109, %dma_start3A_110] : memref<2x10000x128xf32, #tpu.memory_space<hbm>> -> memref<1x10000x128xf32, #tpu.memory_space<hbm>>
        %dma_start3A_112 = tpu.memref_squeeze %dma_start3A_111 : memref<1x10000x128xf32, #tpu.memory_space<hbm>> -> memref<10000x128xf32, #tpu.memory_space<hbm>>
        tpu.enqueue_dma source(%arg13 : memref<10000x128xf32, #tpu.memory_space<vmem_shared>>) target(%dma_start3A_112 : memref<10000x128xf32, #tpu.memory_space<hbm>>) target_semaphore(%run_scoped3A : memref<!tpu.dma_semaphore, #tpu.memory_space<semaphore_mem>>)
        %dma_wait3A_113 = arith.constant 0 : i32
        %dma_wait3A_114 = arith.constant 0 : i32
        %dma_wait3A_115 = tpu.memref_slice %arg5[%arg0, %dma_wait3A_113, %dma_wait3A_114] : memref<2x10000x128xf32, #tpu.memory_space<hbm>> -> memref<1x10000x128xf32, #tpu.memory_space<hbm>>
        %dma_wait3A_116 = tpu.memref_squeeze %dma_wait3A_115 : memref<1x10000x128xf32, #tpu.memory_space<hbm>> -> memref<10000x128xf32, #tpu.memory_space<hbm>>
        tpu.wait_dma2 semaphore(%run_scoped3A : memref<!tpu.dma_semaphore, #tpu.memory_space<semaphore_mem>>) src(%arg13 : memref<10000x128xf32, #tpu.memory_space<vmem_shared>>) dst(%dma_wait3A_116 : memref<10000x128xf32, #tpu.memory_space<hbm>>)
        tpu.yield
      }) : () -> ()
    } else {
    }
    return
  }
}

#map = affine_map<(d0, d1) -> (0, 0, 0)>
#map1 = affine_map<(d0, d1) -> (0)>
#map2 = affine_map<(d0, d1) -> (0, 0)>
module attributes {stable_mosaic.version = 14 : i64} {
  func.func @deg_kernel(%arg0: i32, %arg1: i32, %arg2: memref<2x3200x100xi32, #tpu.memory_space<hbm>>, %arg3: memref<10000xf32, #tpu.memory_space<hbm>>, %arg4: memref<100xf32, #tpu.memory_space<hbm>>, %arg5: memref<2x10000xf32, #tpu.memory_space<hbm>>, %arg6: memref<8x100xi32, #tpu.memory_space<vmem>>, %arg7: memref<100xf32, #tpu.memory_space<vmem>>, %arg8: memref<10000xf32, #tpu.memory_space<vmem_shared>>) attributes {dimension_semantics = [#tpu.dimension_semantics<core_parallel>, #tpu.dimension_semantics<subcore_parallel>], iteration_bounds = array<i64: 2, 16>, scalar_prefetch = 0 : i64, scratch_operands = 3 : i64, tpu.core_type = #tpu.core_type<sc_vector_subcore>, window_params = [{transform_indices = #map}, {transform_indices = #map1}, {transform_indices = #map1}, {transform_indices = #map2}]} {
    "tpu.region"() ({
      %run_scoped3A = tpu.sem_alloc : memref<!tpu.dma_semaphore, #tpu.memory_space<semaphore_mem>>
      tpu.enqueue_dma source(%arg4 : memref<100xf32, #tpu.memory_space<hbm>>) target(%arg7 : memref<100xf32, #tpu.memory_space<vmem>>) target_semaphore(%run_scoped3A : memref<!tpu.dma_semaphore, #tpu.memory_space<semaphore_mem>>)
      tpu.wait_dma2 semaphore(%run_scoped3A : memref<!tpu.dma_semaphore, #tpu.memory_space<semaphore_mem>>) src(%arg4 : memref<100xf32, #tpu.memory_space<hbm>>) dst(%arg7 : memref<100xf32, #tpu.memory_space<vmem>>)
      tpu.yield
    }) : () -> ()
    %eq3A = arith.constant 0 : i32
    %eq3A_0 = arith.cmpi eq, %arg1, %eq3A : i32
    %convert_element_type3A = arith.extui %eq3A_0 : i1 to i32
    %cond3A = arith.constant 0 : i32
    %cond3A_1 = arith.cmpi ne, %convert_element_type3A, %cond3A : i32
    scf.if %cond3A_1 {
      "tpu.region"() ({
        %run_scoped3A = tpu.sem_alloc : memref<!tpu.dma_semaphore, #tpu.memory_space<semaphore_mem>>
        tpu.enqueue_dma source(%arg3 : memref<10000xf32, #tpu.memory_space<hbm>>) target(%arg8 : memref<10000xf32, #tpu.memory_space<vmem_shared>>) target_semaphore(%run_scoped3A : memref<!tpu.dma_semaphore, #tpu.memory_space<semaphore_mem>>)
        tpu.wait_dma2 semaphore(%run_scoped3A : memref<!tpu.dma_semaphore, #tpu.memory_space<semaphore_mem>>) src(%arg3 : memref<10000xf32, #tpu.memory_space<hbm>>) dst(%arg8 : memref<10000xf32, #tpu.memory_space<vmem_shared>>)
        tpu.yield
      }) : () -> ()
    } else {
    }
    %barrier3A = arith.constant 0 : index
    tpu.barrier barrier_id(%barrier3A)
    %scan3A = arith.constant 0 : i32
    %scan3A_2 = arith.constant 0 : i32
    %scan3A_3 = arith.constant 25 : i32
    %scan3A_4 = arith.addi %scan3A_2, %scan3A_3 : i32
    %scan3A_5 = arith.constant 1 : i32
    scf.for %scan3A_13 = %scan3A_2 to %scan3A_4 step %scan3A_5  : i32 {
      %mul3A = arith.constant 200 : i32
      %mul3A_14 = arith.muli %arg1, %mul3A : i32
      %mul3A_15 = arith.constant 8 : i32
      %mul3A_16 = arith.muli %scan3A_13, %mul3A_15 : i32
      %add3A = arith.addi %mul3A_14, %mul3A_16 : i32
      %multiple_of3A = tpu.assume_multiple %add3A, 8 : i32
      "tpu.region"() ({
        %run_scoped3A = tpu.sem_alloc : memref<!tpu.dma_semaphore, #tpu.memory_space<semaphore_mem>>
        %dma_start3A = arith.constant 0 : i32
        %dma_start3A_22 = tpu.memref_slice %arg2[%arg0, %multiple_of3A, %dma_start3A] : memref<2x3200x100xi32, #tpu.memory_space<hbm>> -> memref<1x8x100xi32, #tpu.memory_space<hbm>>
        %dma_start3A_23 = tpu.memref_squeeze %dma_start3A_22 : memref<1x8x100xi32, #tpu.memory_space<hbm>> -> memref<8x100xi32, #tpu.memory_space<hbm>>
        %dma_start3A_24 = arith.constant 0 : i32
        %dma_start3A_25 = tpu.memref_slice %arg2[%arg0, %multiple_of3A, %dma_start3A_24] : memref<2x3200x100xi32, #tpu.memory_space<hbm>> -> memref<1x8x100xi32, #tpu.memory_space<hbm>>
        %dma_start3A_26 = tpu.memref_squeeze %dma_start3A_25 : memref<1x8x100xi32, #tpu.memory_space<hbm>> -> memref<8x100xi32, #tpu.memory_space<hbm>>
        tpu.enqueue_dma source(%dma_start3A_26 : memref<8x100xi32, #tpu.memory_space<hbm>>) target(%arg6 : memref<8x100xi32, #tpu.memory_space<vmem>>) target_semaphore(%run_scoped3A : memref<!tpu.dma_semaphore, #tpu.memory_space<semaphore_mem>>)
        %dma_wait3A = arith.constant 0 : i32
        %dma_wait3A_27 = tpu.memref_slice %arg2[%arg0, %multiple_of3A, %dma_wait3A] : memref<2x3200x100xi32, #tpu.memory_space<hbm>> -> memref<1x8x100xi32, #tpu.memory_space<hbm>>
        %dma_wait3A_28 = tpu.memref_squeeze %dma_wait3A_27 : memref<1x8x100xi32, #tpu.memory_space<hbm>> -> memref<8x100xi32, #tpu.memory_space<hbm>>
        %dma_wait3A_29 = arith.constant 0 : i32
        %dma_wait3A_30 = tpu.memref_slice %arg2[%arg0, %multiple_of3A, %dma_wait3A_29] : memref<2x3200x100xi32, #tpu.memory_space<hbm>> -> memref<1x8x100xi32, #tpu.memory_space<hbm>>
        %dma_wait3A_31 = tpu.memref_squeeze %dma_wait3A_30 : memref<1x8x100xi32, #tpu.memory_space<hbm>> -> memref<8x100xi32, #tpu.memory_space<hbm>>
        tpu.wait_dma2 semaphore(%run_scoped3A : memref<!tpu.dma_semaphore, #tpu.memory_space<semaphore_mem>>) src(%dma_wait3A_31 : memref<8x100xi32, #tpu.memory_space<hbm>>) dst(%arg6 : memref<8x100xi32, #tpu.memory_space<vmem>>)
        tpu.yield
      }) : () -> ()
      %scan3A_17 = arith.constant 0 : i32
      %scan3A_18 = arith.constant 8 : i32
      %scan3A_19 = arith.addi %scan3A_17, %scan3A_18 : i32
      %scan3A_20 = arith.constant 1 : i32
      scf.for %scan3A_22 = %scan3A_17 to %scan3A_19 step %scan3A_20  : i32 {
        "tpu.region"() ({
          %run_scoped3A = tpu.sem_alloc : memref<!tpu.dma_semaphore, #tpu.memory_space<semaphore_mem>>
          %dma_start3A = arith.constant 0 : i32
          %dma_start3A_23 = tpu.memref_slice %arg6[%scan3A_22, %dma_start3A] : memref<8x100xi32, #tpu.memory_space<vmem>> -> memref<1x100xi32, #tpu.memory_space<vmem>>
          %dma_start3A_24 = tpu.memref_squeeze %dma_start3A_23 : memref<1x100xi32, #tpu.memory_space<vmem>> -> memref<100xi32, #tpu.memory_space<vmem>>
          %dma_start3A_25 = arith.constant 0 : i32
          %dma_start3A_26 = tpu.memref_slice %arg8[%dma_start3A_25] : memref<10000xf32, #tpu.memory_space<vmem_shared>> -> memref<10000xf32, #tpu.memory_space<vmem_shared>>
          tpu.enqueue_indirect_dma source(%arg7 : memref<100xf32, #tpu.memory_space<vmem>>) target(%dma_start3A_26 : memref<10000xf32, #tpu.memory_space<vmem_shared>>) offsets(%dma_start3A_24 : memref<100xi32, #tpu.memory_space<vmem>>) semaphore(%run_scoped3A : memref<!tpu.dma_semaphore, #tpu.memory_space<semaphore_mem>>) {add = true}
          %dma_wait3A = arith.constant 0 : i32
          %dma_wait3A_27 = tpu.memref_slice %arg6[%scan3A_22, %dma_wait3A] : memref<8x100xi32, #tpu.memory_space<vmem>> -> memref<1x100xi32, #tpu.memory_space<vmem>>
          %dma_wait3A_28 = tpu.memref_squeeze %dma_wait3A_27 : memref<1x100xi32, #tpu.memory_space<vmem>> -> memref<100xi32, #tpu.memory_space<vmem>>
          %dma_wait3A_29 = arith.constant 0 : i32
          %dma_wait3A_30 = tpu.memref_slice %arg8[%dma_wait3A_29] : memref<10000xf32, #tpu.memory_space<vmem_shared>> -> memref<10000xf32, #tpu.memory_space<vmem_shared>>
          tpu.wait_indirect_dma semaphore(%run_scoped3A : memref<!tpu.dma_semaphore, #tpu.memory_space<semaphore_mem>>) src(%arg7 : memref<100xf32, #tpu.memory_space<vmem>>) dst(%dma_wait3A_30 : memref<10000xf32, #tpu.memory_space<vmem_shared>>)
          tpu.yield
        }) : () -> ()
      }
      %scan3A_21 = arith.constant 8 : i32
    }
    %scan3A_6 = arith.constant 25 : i32
    %barrier3A_7 = arith.constant 0 : index
    tpu.barrier barrier_id(%barrier3A_7)
    %eq3A_8 = arith.constant 0 : i32
    %eq3A_9 = arith.cmpi eq, %arg1, %eq3A_8 : i32
    %convert_element_type3A_10 = arith.extui %eq3A_9 : i1 to i32
    %cond3A_11 = arith.constant 0 : i32
    %cond3A_12 = arith.cmpi ne, %convert_element_type3A_10, %cond3A_11 : i32
    scf.if %cond3A_12 {
      "tpu.region"() ({
        %run_scoped3A = tpu.sem_alloc : memref<!tpu.dma_semaphore, #tpu.memory_space<semaphore_mem>>
        %dma_start3A = arith.constant 0 : i32
        %dma_start3A_13 = tpu.memref_slice %arg5[%arg0, %dma_start3A] : memref<2x10000xf32, #tpu.memory_space<hbm>> -> memref<1x10000xf32, #tpu.memory_space<hbm>>
        %dma_start3A_14 = tpu.memref_squeeze %dma_start3A_13 : memref<1x10000xf32, #tpu.memory_space<hbm>> -> memref<10000xf32, #tpu.memory_space<hbm>>
        tpu.enqueue_dma source(%arg8 : memref<10000xf32, #tpu.memory_space<vmem_shared>>) target(%dma_start3A_14 : memref<10000xf32, #tpu.memory_space<hbm>>) target_semaphore(%run_scoped3A : memref<!tpu.dma_semaphore, #tpu.memory_space<semaphore_mem>>)
        %dma_wait3A = arith.constant 0 : i32
        %dma_wait3A_15 = tpu.memref_slice %arg5[%arg0, %dma_wait3A] : memref<2x10000xf32, #tpu.memory_space<hbm>> -> memref<1x10000xf32, #tpu.memory_space<hbm>>
        %dma_wait3A_16 = tpu.memref_squeeze %dma_wait3A_15 : memref<1x10000xf32, #tpu.memory_space<hbm>> -> memref<10000xf32, #tpu.memory_space<hbm>>
        tpu.wait_dma2 semaphore(%run_scoped3A : memref<!tpu.dma_semaphore, #tpu.memory_space<semaphore_mem>>) src(%arg8 : memref<10000xf32, #tpu.memory_space<vmem_shared>>) dst(%dma_wait3A_16 : memref<10000xf32, #tpu.memory_space<hbm>>)
        tpu.yield
      }) : () -> ()
    } else {
    }
    return
  }
}

#map = affine_map<(d0, d1) -> (0, 0)>
#map1 = affine_map<(d0, d1) -> (0, 0, 0)>
module attributes {stable_mosaic.version = 14 : i64} {
  func.func @prop_kernel(%arg0: i32, %arg1: i32, %arg2: memref<10000x128xf32, #tpu.memory_space<hbm>>, %arg3: memref<32x125x80xi32, #tpu.memory_space<hbm>>, %arg4: memref<10000x128xf32, #tpu.memory_space<hbm>>, %arg5: memref<2x10000x128xf32, #tpu.memory_space<hbm>>, %arg6: memref<125x80xi32, #tpu.memory_space<vmem>>, %arg7: memref<80xi32, #tpu.memory_space<vmem>>, %arg8: memref<80xi32, #tpu.memory_space<vmem>>, %arg9: memref<80xi32, #tpu.memory_space<vmem>>, %arg10: memref<80xi32, #tpu.memory_space<vmem>>, %arg11: memref<80x128xf32, #tpu.memory_space<vmem>>, %arg12: memref<80x128xf32, #tpu.memory_space<vmem>>, %arg13: memref<10000x128xf32, #tpu.memory_space<vmem_shared>>, %arg14: memref<!tpu.dma_semaphore, #tpu.memory_space<semaphore_mem>>, %arg15: memref<!tpu.dma_semaphore, #tpu.memory_space<semaphore_mem>>) attributes {dimension_semantics = [#tpu.dimension_semantics<core_parallel>, #tpu.dimension_semantics<subcore_parallel>], iteration_bounds = array<i64: 2, 16>, scalar_prefetch = 0 : i64, scratch_operands = 10 : i64, tpu.core_type = #tpu.core_type<sc_vector_subcore>, window_params = [{transform_indices = #map}, {transform_indices = #map1}, {transform_indices = #map}, {transform_indices = #map1}]} {
    %mul3A = arith.constant 16 : i32
    %mul3A_0 = arith.muli %arg0, %mul3A : i32
    %add3A = arith.addi %mul3A_0, %arg1 : i32
    "tpu.region"() ({
      %run_scoped3A = tpu.sem_alloc : memref<!tpu.dma_semaphore, #tpu.memory_space<semaphore_mem>>
      %dma_start3A_109 = arith.constant 0 : i32
      %dma_start3A_110 = arith.constant 0 : i32
      %dma_start3A_111 = tpu.memref_slice %arg3[%add3A, %dma_start3A_109, %dma_start3A_110] : memref<32x125x80xi32, #tpu.memory_space<hbm>> -> memref<1x125x80xi32, #tpu.memory_space<hbm>>
      %dma_start3A_112 = tpu.memref_squeeze %dma_start3A_111 : memref<1x125x80xi32, #tpu.memory_space<hbm>> -> memref<125x80xi32, #tpu.memory_space<hbm>>
      %dma_start3A_113 = arith.constant 0 : i32
      %dma_start3A_114 = arith.constant 0 : i32
      %dma_start3A_115 = tpu.memref_slice %arg3[%add3A, %dma_start3A_113, %dma_start3A_114] : memref<32x125x80xi32, #tpu.memory_space<hbm>> -> memref<1x125x80xi32, #tpu.memory_space<hbm>>
      %dma_start3A_116 = tpu.memref_squeeze %dma_start3A_115 : memref<1x125x80xi32, #tpu.memory_space<hbm>> -> memref<125x80xi32, #tpu.memory_space<hbm>>
      tpu.enqueue_dma source(%dma_start3A_116 : memref<125x80xi32, #tpu.memory_space<hbm>>) target(%arg6 : memref<125x80xi32, #tpu.memory_space<vmem>>) target_semaphore(%run_scoped3A : memref<!tpu.dma_semaphore, #tpu.memory_space<semaphore_mem>>)
      %dma_wait3A_117 = arith.constant 0 : i32
      %dma_wait3A_118 = arith.constant 0 : i32
      %dma_wait3A_119 = tpu.memref_slice %arg3[%add3A, %dma_wait3A_117, %dma_wait3A_118] : memref<32x125x80xi32, #tpu.memory_space<hbm>> -> memref<1x125x80xi32, #tpu.memory_space<hbm>>
      %dma_wait3A_120 = tpu.memref_squeeze %dma_wait3A_119 : memref<1x125x80xi32, #tpu.memory_space<hbm>> -> memref<125x80xi32, #tpu.memory_space<hbm>>
      %dma_wait3A_121 = arith.constant 0 : i32
      %dma_wait3A_122 = arith.constant 0 : i32
      %dma_wait3A_123 = tpu.memref_slice %arg3[%add3A, %dma_wait3A_121, %dma_wait3A_122] : memref<32x125x80xi32, #tpu.memory_space<hbm>> -> memref<1x125x80xi32, #tpu.memory_space<hbm>>
      %dma_wait3A_124 = tpu.memref_squeeze %dma_wait3A_123 : memref<1x125x80xi32, #tpu.memory_space<hbm>> -> memref<125x80xi32, #tpu.memory_space<hbm>>
      tpu.wait_dma2 semaphore(%run_scoped3A : memref<!tpu.dma_semaphore, #tpu.memory_space<semaphore_mem>>) src(%dma_wait3A_124 : memref<125x80xi32, #tpu.memory_space<hbm>>) dst(%arg6 : memref<125x80xi32, #tpu.memory_space<vmem>>)
      tpu.yield
    }) : () -> ()
    %eq3A = arith.constant 0 : i32
    %eq3A_1 = arith.cmpi eq, %arg1, %eq3A : i32
    %convert_element_type3A = arith.extui %eq3A_1 : i1 to i32
    %cond3A = arith.constant 0 : i32
    %cond3A_2 = arith.cmpi ne, %convert_element_type3A, %cond3A : i32
    scf.if %cond3A_2 {
      "tpu.region"() ({
        %run_scoped3A = tpu.sem_alloc : memref<!tpu.dma_semaphore, #tpu.memory_space<semaphore_mem>>
        tpu.enqueue_dma source(%arg4 : memref<10000x128xf32, #tpu.memory_space<hbm>>) target(%arg13 : memref<10000x128xf32, #tpu.memory_space<vmem_shared>>) target_semaphore(%run_scoped3A : memref<!tpu.dma_semaphore, #tpu.memory_space<semaphore_mem>>)
        tpu.wait_dma2 semaphore(%run_scoped3A : memref<!tpu.dma_semaphore, #tpu.memory_space<semaphore_mem>>) src(%arg4 : memref<10000x128xf32, #tpu.memory_space<hbm>>) dst(%arg13 : memref<10000x128xf32, #tpu.memory_space<vmem_shared>>)
        tpu.yield
      }) : () -> ()
    } else {
    }
    %barrier3A = arith.constant 0 : index
    tpu.barrier barrier_id(%barrier3A)
    %get3A = arith.constant 0 : i32
    %get3A_3 = arith.index_cast %get3A : i32 to index
    %get3A_4 = arith.constant 0 : index
    %get3A_5 = tpu.vector_load %arg6[%get3A_3, %get3A_4] {strides = array<i32>} : memref<125x80xi32, #tpu.memory_space<vmem>>, vector<1x16xi32>,
    %get3A_6 = vector.shape_cast %get3A_5 : vector<1x16xi32> to vector<16xi32>
    %shift_right_logical3A = arith.constant 16 : i32
    %shift_right_logical3A_7 = vector.broadcast %shift_right_logical3A : i32 to vector<16xi32>
    %shift_right_logical3A_8 = arith.shrui %get3A_6, %shift_right_logical3A_7 : vector<16xi32>
    %swap3A = arith.constant 0 : index
    %swap3A_9 = tpu.vector_load %arg7[%swap3A] {strides = array<i32>} : memref<80xi32, #tpu.memory_space<vmem>>, vector<16xi32>,
    %swap3A_10 = vector.shape_cast %swap3A_9 : vector<16xi32> to vector<16xi32>
    %swap3A_11 = vector.shape_cast %shift_right_logical3A_8 : vector<16xi32> to vector<16xi32>
    tpu.vector_store %arg7[%swap3A], %swap3A_11 {strides = array<i32>} : memref<80xi32, #tpu.memory_space<vmem>>, vector<16xi32>,
    %and3A = arith.constant 65535 : i32
    %and3A_12 = vector.broadcast %and3A : i32 to vector<16xi32>
    %and3A_13 = arith.andi %get3A_6, %and3A_12 : vector<16xi32>
    %swap3A_14 = arith.constant 0 : index
    %swap3A_15 = tpu.vector_load %arg8[%swap3A_14] {strides = array<i32>} : memref<80xi32, #tpu.memory_space<vmem>>, vector<16xi32>,
    %swap3A_16 = vector.shape_cast %swap3A_15 : vector<16xi32> to vector<16xi32>
    %swap3A_17 = vector.shape_cast %and3A_13 : vector<16xi32> to vector<16xi32>
    tpu.vector_store %arg8[%swap3A_14], %swap3A_17 {strides = array<i32>} : memref<80xi32, #tpu.memory_space<vmem>>, vector<16xi32>,
    %get3A_18 = arith.constant 0 : i32
    %get3A_19 = arith.index_cast %get3A_18 : i32 to index
    %get3A_20 = arith.constant 16 : index
    %get3A_21 = tpu.vector_load %arg6[%get3A_19, %get3A_20] {strides = array<i32>} : memref<125x80xi32, #tpu.memory_space<vmem>>, vector<1x16xi32>,
    %get3A_22 = vector.shape_cast %get3A_21 : vector<1x16xi32> to vector<16xi32>
    %shift_right_logical3A_23 = arith.constant 16 : i32
    %shift_right_logical3A_24 = vector.broadcast %shift_right_logical3A_23 : i32 to vector<16xi32>
    %shift_right_logical3A_25 = arith.shrui %get3A_22, %shift_right_logical3A_24 : vector<16xi32>
    %swap3A_26 = arith.constant 16 : index
    %swap3A_27 = tpu.vector_load %arg7[%swap3A_26] {strides = array<i32>} : memref<80xi32, #tpu.memory_space<vmem>>, vector<16xi32>,
    %swap3A_28 = vector.shape_cast %swap3A_27 : vector<16xi32> to vector<16xi32>
    %swap3A_29 = vector.shape_cast %shift_right_logical3A_25 : vector<16xi32> to vector<16xi32>
    tpu.vector_store %arg7[%swap3A_26], %swap3A_29 {strides = array<i32>} : memref<80xi32, #tpu.memory_space<vmem>>, vector<16xi32>,
    %and3A_30 = arith.constant 65535 : i32
    %and3A_31 = vector.broadcast %and3A_30 : i32 to vector<16xi32>
    %and3A_32 = arith.andi %get3A_22, %and3A_31 : vector<16xi32>
    %swap3A_33 = arith.constant 16 : index
    %swap3A_34 = tpu.vector_load %arg8[%swap3A_33] {strides = array<i32>} : memref<80xi32, #tpu.memory_space<vmem>>, vector<16xi32>,
    %swap3A_35 = vector.shape_cast %swap3A_34 : vector<16xi32> to vector<16xi32>
    %swap3A_36 = vector.shape_cast %and3A_32 : vector<16xi32> to vector<16xi32>
    tpu.vector_store %arg8[%swap3A_33], %swap3A_36 {strides = array<i32>} : memref<80xi32, #tpu.memory_space<vmem>>, vector<16xi32>,
    %get3A_37 = arith.constant 0 : i32
    %get3A_38 = arith.index_cast %get3A_37 : i32 to index
    %get3A_39 = arith.constant 32 : index
    %get3A_40 = tpu.vector_load %arg6[%get3A_38, %get3A_39] {strides = array<i32>} : memref<125x80xi32, #tpu.memory_space<vmem>>, vector<1x16xi32>,
    %get3A_41 = vector.shape_cast %get3A_40 : vector<1x16xi32> to vector<16xi32>
    %shift_right_logical3A_42 = arith.constant 16 : i32
    %shift_right_logical3A_43 = vector.broadcast %shift_right_logical3A_42 : i32 to vector<16xi32>
    %shift_right_logical3A_44 = arith.shrui %get3A_41, %shift_right_logical3A_43 : vector<16xi32>
    %swap3A_45 = arith.constant 32 : index
    %swap3A_46 = tpu.vector_load %arg7[%swap3A_45] {strides = array<i32>} : memref<80xi32, #tpu.memory_space<vmem>>, vector<16xi32>,
    %swap3A_47 = vector.shape_cast %swap3A_46 : vector<16xi32> to vector<16xi32>
    %swap3A_48 = vector.shape_cast %shift_right_logical3A_44 : vector<16xi32> to vector<16xi32>
    tpu.vector_store %arg7[%swap3A_45], %swap3A_48 {strides = array<i32>} : memref<80xi32, #tpu.memory_space<vmem>>, vector<16xi32>,
    %and3A_49 = arith.constant 65535 : i32
    %and3A_50 = vector.broadcast %and3A_49 : i32 to vector<16xi32>
    %and3A_51 = arith.andi %get3A_41, %and3A_50 : vector<16xi32>
    %swap3A_52 = arith.constant 32 : index
    %swap3A_53 = tpu.vector_load %arg8[%swap3A_52] {strides = array<i32>} : memref<80xi32, #tpu.memory_space<vmem>>, vector<16xi32>,
    %swap3A_54 = vector.shape_cast %swap3A_53 : vector<16xi32> to vector<16xi32>
    %swap3A_55 = vector.shape_cast %and3A_51 : vector<16xi32> to vector<16xi32>
    tpu.vector_store %arg8[%swap3A_52], %swap3A_55 {strides = array<i32>} : memref<80xi32, #tpu.memory_space<vmem>>, vector<16xi32>,
    %get3A_56 = arith.constant 0 : i32
    %get3A_57 = arith.index_cast %get3A_56 : i32 to index
    %get3A_58 = arith.constant 48 : index
    %get3A_59 = tpu.vector_load %arg6[%get3A_57, %get3A_58] {strides = array<i32>} : memref<125x80xi32, #tpu.memory_space<vmem>>, vector<1x16xi32>,
    %get3A_60 = vector.shape_cast %get3A_59 : vector<1x16xi32> to vector<16xi32>
    %shift_right_logical3A_61 = arith.constant 16 : i32
    %shift_right_logical3A_62 = vector.broadcast %shift_right_logical3A_61 : i32 to vector<16xi32>
    %shift_right_logical3A_63 = arith.shrui %get3A_60, %shift_right_logical3A_62 : vector<16xi32>
    %swap3A_64 = arith.constant 48 : index
    %swap3A_65 = tpu.vector_load %arg7[%swap3A_64] {strides = array<i32>} : memref<80xi32, #tpu.memory_space<vmem>>, vector<16xi32>,
    %swap3A_66 = vector.shape_cast %swap3A_65 : vector<16xi32> to vector<16xi32>
    %swap3A_67 = vector.shape_cast %shift_right_logical3A_63 : vector<16xi32> to vector<16xi32>
    tpu.vector_store %arg7[%swap3A_64], %swap3A_67 {strides = array<i32>} : memref<80xi32, #tpu.memory_space<vmem>>, vector<16xi32>,
    %and3A_68 = arith.constant 65535 : i32
    %and3A_69 = vector.broadcast %and3A_68 : i32 to vector<16xi32>
    %and3A_70 = arith.andi %get3A_60, %and3A_69 : vector<16xi32>
    %swap3A_71 = arith.constant 48 : index
    %swap3A_72 = tpu.vector_load %arg8[%swap3A_71] {strides = array<i32>} : memref<80xi32, #tpu.memory_space<vmem>>, vector<16xi32>,
    %swap3A_73 = vector.shape_cast %swap3A_72 : vector<16xi32> to vector<16xi32>
    %swap3A_74 = vector.shape_cast %and3A_70 : vector<16xi32> to vector<16xi32>
    tpu.vector_store %arg8[%swap3A_71], %swap3A_74 {strides = array<i32>} : memref<80xi32, #tpu.memory_space<vmem>>, vector<16xi32>,
    %get3A_75 = arith.constant 0 : i32
    %get3A_76 = arith.index_cast %get3A_75 : i32 to index
    %get3A_77 = arith.constant 64 : index
    %get3A_78 = tpu.vector_load %arg6[%get3A_76, %get3A_77] {strides = array<i32>} : memref<125x80xi32, #tpu.memory_space<vmem>>, vector<1x16xi32>,
    %get3A_79 = vector.shape_cast %get3A_78 : vector<1x16xi32> to vector<16xi32>
    %shift_right_logical3A_80 = arith.constant 16 : i32
    %shift_right_logical3A_81 = vector.broadcast %shift_right_logical3A_80 : i32 to vector<16xi32>
    %shift_right_logical3A_82 = arith.shrui %get3A_79, %shift_right_logical3A_81 : vector<16xi32>
    %swap3A_83 = arith.constant 64 : index
    %swap3A_84 = tpu.vector_load %arg7[%swap3A_83] {strides = array<i32>} : memref<80xi32, #tpu.memory_space<vmem>>, vector<16xi32>,
    %swap3A_85 = vector.shape_cast %swap3A_84 : vector<16xi32> to vector<16xi32>
    %swap3A_86 = vector.shape_cast %shift_right_logical3A_82 : vector<16xi32> to vector<16xi32>
    tpu.vector_store %arg7[%swap3A_83], %swap3A_86 {strides = array<i32>} : memref<80xi32, #tpu.memory_space<vmem>>, vector<16xi32>,
    %and3A_87 = arith.constant 65535 : i32
    %and3A_88 = vector.broadcast %and3A_87 : i32 to vector<16xi32>
    %and3A_89 = arith.andi %get3A_79, %and3A_88 : vector<16xi32>
    %swap3A_90 = arith.constant 64 : index
    %swap3A_91 = tpu.vector_load %arg8[%swap3A_90] {strides = array<i32>} : memref<80xi32, #tpu.memory_space<vmem>>, vector<16xi32>,
    %swap3A_92 = vector.shape_cast %swap3A_91 : vector<16xi32> to vector<16xi32>
    %swap3A_93 = vector.shape_cast %and3A_89 : vector<16xi32> to vector<16xi32>
    tpu.vector_store %arg8[%swap3A_90], %swap3A_93 {strides = array<i32>} : memref<80xi32, #tpu.memory_space<vmem>>, vector<16xi32>,
    %dma_start3A = arith.constant 0 : i32
    %dma_start3A_94 = arith.constant 0 : i32
    %dma_start3A_95 = tpu.memref_slice %arg2[%dma_start3A, %dma_start3A_94] : memref<10000x128xf32, #tpu.memory_space<hbm>> -> memref<10000x128xf32, #tpu.memory_space<hbm>>
    tpu.enqueue_indirect_dma source(%dma_start3A_95 : memref<10000x128xf32, #tpu.memory_space<hbm>>) target(%arg11 : memref<80x128xf32, #tpu.memory_space<vmem>>) offsets(%arg7 : memref<80xi32, #tpu.memory_space<vmem>>) semaphore(%arg14 : memref<!tpu.dma_semaphore, #tpu.memory_space<semaphore_mem>>)
    %scan3A = arith.constant 0 : i32
    %scan3A_96 = arith.constant 0 : i32
    %scan3A_97 = arith.constant 62 : i32
    %scan3A_98 = arith.addi %scan3A_96, %scan3A_97 : i32
    %scan3A_99 = arith.constant 1 : i32
    scf.for %scan3A_109 = %scan3A_96 to %scan3A_98 step %scan3A_99  : i32 {
      %mul3A_110 = arith.constant 2 : i32
      %mul3A_111 = arith.muli %scan3A_109, %mul3A_110 : i32
      %add3A_112 = arith.constant 1 : i32
      %add3A_113 = arith.addi %mul3A_111, %add3A_112 : i32
      %add3A_114 = arith.constant 2 : i32
      %add3A_115 = arith.addi %mul3A_111, %add3A_114 : i32
      %min3A = arith.constant 124 : i32
      %min3A_116 = arith.minsi %add3A_115, %min3A : i32
      %dma_wait3A_117 = arith.constant 0 : i32
      %dma_wait3A_118 = arith.constant 0 : i32
      %dma_wait3A_119 = tpu.memref_slice %arg2[%dma_wait3A_117, %dma_wait3A_118] : memref<10000x128xf32, #tpu.memory_space<hbm>> -> memref<10000x128xf32, #tpu.memory_space<hbm>>
      tpu.wait_indirect_dma semaphore(%arg14 : memref<!tpu.dma_semaphore, #tpu.memory_space<semaphore_mem>>) src(%dma_wait3A_119 : memref<10000x128xf32, #tpu.memory_space<hbm>>) dst(%arg11 : memref<80x128xf32, #tpu.memory_space<vmem>>)
      %get3A_120 = arith.index_cast %add3A_113 : i32 to index
      %get3A_121 = arith.constant 0 : index
      %get3A_122 = tpu.vector_load %arg6[%get3A_120, %get3A_121] {strides = array<i32>} : memref<125x80xi32, #tpu.memory_space<vmem>>, vector<1x16xi32>,
      %get3A_123 = vector.shape_cast %get3A_122 : vector<1x16xi32> to vector<16xi32>
      %shift_right_logical3A_124 = arith.constant 16 : i32
      %shift_right_logical3A_125 = vector.broadcast %shift_right_logical3A_124 : i32 to vector<16xi32>
      %shift_right_logical3A_126 = arith.shrui %get3A_123, %shift_right_logical3A_125 : vector<16xi32>
      %swap3A_127 = arith.constant 0 : index
      %swap3A_128 = tpu.vector_load %arg9[%swap3A_127] {strides = array<i32>} : memref<80xi32, #tpu.memory_space<vmem>>, vector<16xi32>,
      %swap3A_129 = vector.shape_cast %swap3A_128 : vector<16xi32> to vector<16xi32>
      %swap3A_130 = vector.shape_cast %shift_right_logical3A_126 : vector<16xi32> to vector<16xi32>
      tpu.vector_store %arg9[%swap3A_127], %swap3A_130 {strides = array<i32>} : memref<80xi32, #tpu.memory_space<vmem>>, vector<16xi32>,
      %and3A_131 = arith.constant 65535 : i32
      %and3A_132 = vector.broadcast %and3A_131 : i32 to vector<16xi32>
      %and3A_133 = arith.andi %get3A_123, %and3A_132 : vector<16xi32>
      %swap3A_134 = arith.constant 0 : index
      %swap3A_135 = tpu.vector_load %arg10[%swap3A_134] {strides = array<i32>} : memref<80xi32, #tpu.memory_space<vmem>>, vector<16xi32>,
      %swap3A_136 = vector.shape_cast %swap3A_135 : vector<16xi32> to vector<16xi32>
      %swap3A_137 = vector.shape_cast %and3A_133 : vector<16xi32> to vector<16xi32>
      tpu.vector_store %arg10[%swap3A_134], %swap3A_137 {strides = array<i32>} : memref<80xi32, #tpu.memory_space<vmem>>, vector<16xi32>,
      %get3A_138 = arith.index_cast %add3A_113 : i32 to index
      %get3A_139 = arith.constant 16 : index
      %get3A_140 = tpu.vector_load %arg6[%get3A_138, %get3A_139] {strides = array<i32>} : memref<125x80xi32, #tpu.memory_space<vmem>>, vector<1x16xi32>,
      %get3A_141 = vector.shape_cast %get3A_140 : vector<1x16xi32> to vector<16xi32>
      %shift_right_logical3A_142 = arith.constant 16 : i32
      %shift_right_logical3A_143 = vector.broadcast %shift_right_logical3A_142 : i32 to vector<16xi32>
      %shift_right_logical3A_144 = arith.shrui %get3A_141, %shift_right_logical3A_143 : vector<16xi32>
      %swap3A_145 = arith.constant 16 : index
      %swap3A_146 = tpu.vector_load %arg9[%swap3A_145] {strides = array<i32>} : memref<80xi32, #tpu.memory_space<vmem>>, vector<16xi32>,
      %swap3A_147 = vector.shape_cast %swap3A_146 : vector<16xi32> to vector<16xi32>
      %swap3A_148 = vector.shape_cast %shift_right_logical3A_144 : vector<16xi32> to vector<16xi32>
      tpu.vector_store %arg9[%swap3A_145], %swap3A_148 {strides = array<i32>} : memref<80xi32, #tpu.memory_space<vmem>>, vector<16xi32>,
      %and3A_149 = arith.constant 65535 : i32
      %and3A_150 = vector.broadcast %and3A_149 : i32 to vector<16xi32>
      %and3A_151 = arith.andi %get3A_141, %and3A_150 : vector<16xi32>
      %swap3A_152 = arith.constant 16 : index
      %swap3A_153 = tpu.vector_load %arg10[%swap3A_152] {strides = array<i32>} : memref<80xi32, #tpu.memory_space<vmem>>, vector<16xi32>,
      %swap3A_154 = vector.shape_cast %swap3A_153 : vector<16xi32> to vector<16xi32>
      %swap3A_155 = vector.shape_cast %and3A_151 : vector<16xi32> to vector<16xi32>
      tpu.vector_store %arg10[%swap3A_152], %swap3A_155 {strides = array<i32>} : memref<80xi32, #tpu.memory_space<vmem>>, vector<16xi32>,
      %get3A_156 = arith.index_cast %add3A_113 : i32 to index
      %get3A_157 = arith.constant 32 : index
      %get3A_158 = tpu.vector_load %arg6[%get3A_156, %get3A_157] {strides = array<i32>} : memref<125x80xi32, #tpu.memory_space<vmem>>, vector<1x16xi32>,
      %get3A_159 = vector.shape_cast %get3A_158 : vector<1x16xi32> to vector<16xi32>
      %shift_right_logical3A_160 = arith.constant 16 : i32
      %shift_right_logical3A_161 = vector.broadcast %shift_right_logical3A_160 : i32 to vector<16xi32>
      %shift_right_logical3A_162 = arith.shrui %get3A_159, %shift_right_logical3A_161 : vector<16xi32>
      %swap3A_163 = arith.constant 32 : index
      %swap3A_164 = tpu.vector_load %arg9[%swap3A_163] {strides = array<i32>} : memref<80xi32, #tpu.memory_space<vmem>>, vector<16xi32>,
      %swap3A_165 = vector.shape_cast %swap3A_164 : vector<16xi32> to vector<16xi32>
      %swap3A_166 = vector.shape_cast %shift_right_logical3A_162 : vector<16xi32> to vector<16xi32>
      tpu.vector_store %arg9[%swap3A_163], %swap3A_166 {strides = array<i32>} : memref<80xi32, #tpu.memory_space<vmem>>, vector<16xi32>,
      %and3A_167 = arith.constant 65535 : i32
      %and3A_168 = vector.broadcast %and3A_167 : i32 to vector<16xi32>
      %and3A_169 = arith.andi %get3A_159, %and3A_168 : vector<16xi32>
      %swap3A_170 = arith.constant 32 : index
      %swap3A_171 = tpu.vector_load %arg10[%swap3A_170] {strides = array<i32>} : memref<80xi32, #tpu.memory_space<vmem>>, vector<16xi32>,
      %swap3A_172 = vector.shape_cast %swap3A_171 : vector<16xi32> to vector<16xi32>
      %swap3A_173 = vector.shape_cast %and3A_169 : vector<16xi32> to vector<16xi32>
      tpu.vector_store %arg10[%swap3A_170], %swap3A_173 {strides = array<i32>} : memref<80xi32, #tpu.memory_space<vmem>>, vector<16xi32>,
      %get3A_174 = arith.index_cast %add3A_113 : i32 to index
      %get3A_175 = arith.constant 48 : index
      %get3A_176 = tpu.vector_load %arg6[%get3A_174, %get3A_175] {strides = array<i32>} : memref<125x80xi32, #tpu.memory_space<vmem>>, vector<1x16xi32>,
      %get3A_177 = vector.shape_cast %get3A_176 : vector<1x16xi32> to vector<16xi32>
      %shift_right_logical3A_178 = arith.constant 16 : i32
      %shift_right_logical3A_179 = vector.broadcast %shift_right_logical3A_178 : i32 to vector<16xi32>
      %shift_right_logical3A_180 = arith.shrui %get3A_177, %shift_right_logical3A_179 : vector<16xi32>
      %swap3A_181 = arith.constant 48 : index
      %swap3A_182 = tpu.vector_load %arg9[%swap3A_181] {strides = array<i32>} : memref<80xi32, #tpu.memory_space<vmem>>, vector<16xi32>,
      %swap3A_183 = vector.shape_cast %swap3A_182 : vector<16xi32> to vector<16xi32>
      %swap3A_184 = vector.shape_cast %shift_right_logical3A_180 : vector<16xi32> to vector<16xi32>
      tpu.vector_store %arg9[%swap3A_181], %swap3A_184 {strides = array<i32>} : memref<80xi32, #tpu.memory_space<vmem>>, vector<16xi32>,
      %and3A_185 = arith.constant 65535 : i32
      %and3A_186 = vector.broadcast %and3A_185 : i32 to vector<16xi32>
      %and3A_187 = arith.andi %get3A_177, %and3A_186 : vector<16xi32>
      %swap3A_188 = arith.constant 48 : index
      %swap3A_189 = tpu.vector_load %arg10[%swap3A_188] {strides = array<i32>} : memref<80xi32, #tpu.memory_space<vmem>>, vector<16xi32>,
      %swap3A_190 = vector.shape_cast %swap3A_189 : vector<16xi32> to vector<16xi32>
      %swap3A_191 = vector.shape_cast %and3A_187 : vector<16xi32> to vector<16xi32>
      tpu.vector_store %arg10[%swap3A_188], %swap3A_191 {strides = array<i32>} : memref<80xi32, #tpu.memory_space<vmem>>, vector<16xi32>,
      %get3A_192 = arith.index_cast %add3A_113 : i32 to index
      %get3A_193 = arith.constant 64 : index
      %get3A_194 = tpu.vector_load %arg6[%get3A_192, %get3A_193] {strides = array<i32>} : memref<125x80xi32, #tpu.memory_space<vmem>>, vector<1x16xi32>,
      %get3A_195 = vector.shape_cast %get3A_194 : vector<1x16xi32> to vector<16xi32>
      %shift_right_logical3A_196 = arith.constant 16 : i32
      %shift_right_logical3A_197 = vector.broadcast %shift_right_logical3A_196 : i32 to vector<16xi32>
      %shift_right_logical3A_198 = arith.shrui %get3A_195, %shift_right_logical3A_197 : vector<16xi32>
      %swap3A_199 = arith.constant 64 : index
      %swap3A_200 = tpu.vector_load %arg9[%swap3A_199] {strides = array<i32>} : memref<80xi32, #tpu.memory_space<vmem>>, vector<16xi32>,
      %swap3A_201 = vector.shape_cast %swap3A_200 : vector<16xi32> to vector<16xi32>
      %swap3A_202 = vector.shape_cast %shift_right_logical3A_198 : vector<16xi32> to vector<16xi32>
      tpu.vector_store %arg9[%swap3A_199], %swap3A_202 {strides = array<i32>} : memref<80xi32, #tpu.memory_space<vmem>>, vector<16xi32>,
      %and3A_203 = arith.constant 65535 : i32
      %and3A_204 = vector.broadcast %and3A_203 : i32 to vector<16xi32>
      %and3A_205 = arith.andi %get3A_195, %and3A_204 : vector<16xi32>
      %swap3A_206 = arith.constant 64 : index
      %swap3A_207 = tpu.vector_load %arg10[%swap3A_206] {strides = array<i32>} : memref<80xi32, #tpu.memory_space<vmem>>, vector<16xi32>,
      %swap3A_208 = vector.shape_cast %swap3A_207 : vector<16xi32> to vector<16xi32>
      %swap3A_209 = vector.shape_cast %and3A_205 : vector<16xi32> to vector<16xi32>
      tpu.vector_store %arg10[%swap3A_206], %swap3A_209 {strides = array<i32>} : memref<80xi32, #tpu.memory_space<vmem>>, vector<16xi32>,
      %dma_start3A_210 = arith.constant 0 : i32
      %dma_start3A_211 = arith.constant 0 : i32
      %dma_start3A_212 = tpu.memref_slice %arg2[%dma_start3A_210, %dma_start3A_211] : memref<10000x128xf32, #tpu.memory_space<hbm>> -> memref<10000x128xf32, #tpu.memory_space<hbm>>
      tpu.enqueue_indirect_dma source(%dma_start3A_212 : memref<10000x128xf32, #tpu.memory_space<hbm>>) target(%arg12 : memref<80x128xf32, #tpu.memory_space<vmem>>) offsets(%arg9 : memref<80xi32, #tpu.memory_space<vmem>>) semaphore(%arg15 : memref<!tpu.dma_semaphore, #tpu.memory_space<semaphore_mem>>)
      "tpu.region"() ({
        %run_scoped3A = tpu.sem_alloc : memref<!tpu.dma_semaphore, #tpu.memory_space<semaphore_mem>>
        %dma_start3A_309 = arith.constant 0 : i32
        %dma_start3A_310 = arith.constant 0 : i32
        %dma_start3A_311 = tpu.memref_slice %arg13[%dma_start3A_309, %dma_start3A_310] : memref<10000x128xf32, #tpu.memory_space<vmem_shared>> -> memref<10000x128xf32, #tpu.memory_space<vmem_shared>>
        tpu.enqueue_indirect_dma source(%arg11 : memref<80x128xf32, #tpu.memory_space<vmem>>) target(%dma_start3A_311 : memref<10000x128xf32, #tpu.memory_space<vmem_shared>>) offsets(%arg8 : memref<80xi32, #tpu.memory_space<vmem>>) semaphore(%run_scoped3A : memref<!tpu.dma_semaphore, #tpu.memory_space<semaphore_mem>>) {add = true}
        %dma_wait3A_312 = arith.constant 0 : i32
        %dma_wait3A_313 = arith.constant 0 : i32
        %dma_wait3A_314 = tpu.memref_slice %arg13[%dma_wait3A_312, %dma_wait3A_313] : memref<10000x128xf32, #tpu.memory_space<vmem_shared>> -> memref<10000x128xf32, #tpu.memory_space<vmem_shared>>
        tpu.wait_indirect_dma semaphore(%run_scoped3A : memref<!tpu.dma_semaphore, #tpu.memory_space<semaphore_mem>>) src(%arg11 : memref<80x128xf32, #tpu.memory_space<vmem>>) dst(%dma_wait3A_314 : memref<10000x128xf32, #tpu.memory_space<vmem_shared>>)
        tpu.yield
      }) : () -> ()
      %dma_wait3A_213 = arith.constant 0 : i32
      %dma_wait3A_214 = arith.constant 0 : i32
      %dma_wait3A_215 = tpu.memref_slice %arg2[%dma_wait3A_213, %dma_wait3A_214] : memref<10000x128xf32, #tpu.memory_space<hbm>> -> memref<10000x128xf32, #tpu.memory_space<hbm>>
      tpu.wait_indirect_dma semaphore(%arg15 : memref<!tpu.dma_semaphore, #tpu.memory_space<semaphore_mem>>) src(%dma_wait3A_215 : memref<10000x128xf32, #tpu.memory_space<hbm>>) dst(%arg12 : memref<80x128xf32, #tpu.memory_space<vmem>>)
      %get3A_216 = arith.index_cast %min3A_116 : i32 to index
      %get3A_217 = arith.constant 0 : index
      %get3A_218 = tpu.vector_load %arg6[%get3A_216, %get3A_217] {strides = array<i32>} : memref<125x80xi32, #tpu.memory_space<vmem>>, vector<1x16xi32>,
      %get3A_219 = vector.shape_cast %get3A_218 : vector<1x16xi32> to vector<16xi32>
      %shift_right_logical3A_220 = arith.constant 16 : i32
      %shift_right_logical3A_221 = vector.broadcast %shift_right_logical3A_220 : i32 to vector<16xi32>
      %shift_right_logical3A_222 = arith.shrui %get3A_219, %shift_right_logical3A_221 : vector<16xi32>
      %swap3A_223 = arith.constant 0 : index
      %swap3A_224 = tpu.vector_load %arg7[%swap3A_223] {strides = array<i32>} : memref<80xi32, #tpu.memory_space<vmem>>, vector<16xi32>,
      %swap3A_225 = vector.shape_cast %swap3A_224 : vector<16xi32> to vector<16xi32>
      %swap3A_226 = vector.shape_cast %shift_right_logical3A_222 : vector<16xi32> to vector<16xi32>
      tpu.vector_store %arg7[%swap3A_223], %swap3A_226 {strides = array<i32>} : memref<80xi32, #tpu.memory_space<vmem>>, vector<16xi32>,
      %and3A_227 = arith.constant 65535 : i32
      %and3A_228 = vector.broadcast %and3A_227 : i32 to vector<16xi32>
      %and3A_229 = arith.andi %get3A_219, %and3A_228 : vector<16xi32>
      %swap3A_230 = arith.constant 0 : index
      %swap3A_231 = tpu.vector_load %arg8[%swap3A_230] {strides = array<i32>} : memref<80xi32, #tpu.memory_space<vmem>>, vector<16xi32>,
      %swap3A_232 = vector.shape_cast %swap3A_231 : vector<16xi32> to vector<16xi32>
      %swap3A_233 = vector.shape_cast %and3A_229 : vector<16xi32> to vector<16xi32>
      tpu.vector_store %arg8[%swap3A_230], %swap3A_233 {strides = array<i32>} : memref<80xi32, #tpu.memory_space<vmem>>, vector<16xi32>,
      %get3A_234 = arith.index_cast %min3A_116 : i32 to index
      %get3A_235 = arith.constant 16 : index
      %get3A_236 = tpu.vector_load %arg6[%get3A_234, %get3A_235] {strides = array<i32>} : memref<125x80xi32, #tpu.memory_space<vmem>>, vector<1x16xi32>,
      %get3A_237 = vector.shape_cast %get3A_236 : vector<1x16xi32> to vector<16xi32>
      %shift_right_logical3A_238 = arith.constant 16 : i32
      %shift_right_logical3A_239 = vector.broadcast %shift_right_logical3A_238 : i32 to vector<16xi32>
      %shift_right_logical3A_240 = arith.shrui %get3A_237, %shift_right_logical3A_239 : vector<16xi32>
      %swap3A_241 = arith.constant 16 : index
      %swap3A_242 = tpu.vector_load %arg7[%swap3A_241] {strides = array<i32>} : memref<80xi32, #tpu.memory_space<vmem>>, vector<16xi32>,
      %swap3A_243 = vector.shape_cast %swap3A_242 : vector<16xi32> to vector<16xi32>
      %swap3A_244 = vector.shape_cast %shift_right_logical3A_240 : vector<16xi32> to vector<16xi32>
      tpu.vector_store %arg7[%swap3A_241], %swap3A_244 {strides = array<i32>} : memref<80xi32, #tpu.memory_space<vmem>>, vector<16xi32>,
      %and3A_245 = arith.constant 65535 : i32
      %and3A_246 = vector.broadcast %and3A_245 : i32 to vector<16xi32>
      %and3A_247 = arith.andi %get3A_237, %and3A_246 : vector<16xi32>
      %swap3A_248 = arith.constant 16 : index
      %swap3A_249 = tpu.vector_load %arg8[%swap3A_248] {strides = array<i32>} : memref<80xi32, #tpu.memory_space<vmem>>, vector<16xi32>,
      %swap3A_250 = vector.shape_cast %swap3A_249 : vector<16xi32> to vector<16xi32>
      %swap3A_251 = vector.shape_cast %and3A_247 : vector<16xi32> to vector<16xi32>
      tpu.vector_store %arg8[%swap3A_248], %swap3A_251 {strides = array<i32>} : memref<80xi32, #tpu.memory_space<vmem>>, vector<16xi32>,
      %get3A_252 = arith.index_cast %min3A_116 : i32 to index
      %get3A_253 = arith.constant 32 : index
      %get3A_254 = tpu.vector_load %arg6[%get3A_252, %get3A_253] {strides = array<i32>} : memref<125x80xi32, #tpu.memory_space<vmem>>, vector<1x16xi32>,
      %get3A_255 = vector.shape_cast %get3A_254 : vector<1x16xi32> to vector<16xi32>
      %shift_right_logical3A_256 = arith.constant 16 : i32
      %shift_right_logical3A_257 = vector.broadcast %shift_right_logical3A_256 : i32 to vector<16xi32>
      %shift_right_logical3A_258 = arith.shrui %get3A_255, %shift_right_logical3A_257 : vector<16xi32>
      %swap3A_259 = arith.constant 32 : index
      %swap3A_260 = tpu.vector_load %arg7[%swap3A_259] {strides = array<i32>} : memref<80xi32, #tpu.memory_space<vmem>>, vector<16xi32>,
      %swap3A_261 = vector.shape_cast %swap3A_260 : vector<16xi32> to vector<16xi32>
      %swap3A_262 = vector.shape_cast %shift_right_logical3A_258 : vector<16xi32> to vector<16xi32>
      tpu.vector_store %arg7[%swap3A_259], %swap3A_262 {strides = array<i32>} : memref<80xi32, #tpu.memory_space<vmem>>, vector<16xi32>,
      %and3A_263 = arith.constant 65535 : i32
      %and3A_264 = vector.broadcast %and3A_263 : i32 to vector<16xi32>
      %and3A_265 = arith.andi %get3A_255, %and3A_264 : vector<16xi32>
      %swap3A_266 = arith.constant 32 : index
      %swap3A_267 = tpu.vector_load %arg8[%swap3A_266] {strides = array<i32>} : memref<80xi32, #tpu.memory_space<vmem>>, vector<16xi32>,
      %swap3A_268 = vector.shape_cast %swap3A_267 : vector<16xi32> to vector<16xi32>
      %swap3A_269 = vector.shape_cast %and3A_265 : vector<16xi32> to vector<16xi32>
      tpu.vector_store %arg8[%swap3A_266], %swap3A_269 {strides = array<i32>} : memref<80xi32, #tpu.memory_space<vmem>>, vector<16xi32>,
      %get3A_270 = arith.index_cast %min3A_116 : i32 to index
      %get3A_271 = arith.constant 48 : index
      %get3A_272 = tpu.vector_load %arg6[%get3A_270, %get3A_271] {strides = array<i32>} : memref<125x80xi32, #tpu.memory_space<vmem>>, vector<1x16xi32>,
      %get3A_273 = vector.shape_cast %get3A_272 : vector<1x16xi32> to vector<16xi32>
      %shift_right_logical3A_274 = arith.constant 16 : i32
      %shift_right_logical3A_275 = vector.broadcast %shift_right_logical3A_274 : i32 to vector<16xi32>
      %shift_right_logical3A_276 = arith.shrui %get3A_273, %shift_right_logical3A_275 : vector<16xi32>
      %swap3A_277 = arith.constant 48 : index
      %swap3A_278 = tpu.vector_load %arg7[%swap3A_277] {strides = array<i32>} : memref<80xi32, #tpu.memory_space<vmem>>, vector<16xi32>,
      %swap3A_279 = vector.shape_cast %swap3A_278 : vector<16xi32> to vector<16xi32>
      %swap3A_280 = vector.shape_cast %shift_right_logical3A_276 : vector<16xi32> to vector<16xi32>
      tpu.vector_store %arg7[%swap3A_277], %swap3A_280 {strides = array<i32>} : memref<80xi32, #tpu.memory_space<vmem>>, vector<16xi32>,
      %and3A_281 = arith.constant 65535 : i32
      %and3A_282 = vector.broadcast %and3A_281 : i32 to vector<16xi32>
      %and3A_283 = arith.andi %get3A_273, %and3A_282 : vector<16xi32>
      %swap3A_284 = arith.constant 48 : index
      %swap3A_285 = tpu.vector_load %arg8[%swap3A_284] {strides = array<i32>} : memref<80xi32, #tpu.memory_space<vmem>>, vector<16xi32>,
      %swap3A_286 = vector.shape_cast %swap3A_285 : vector<16xi32> to vector<16xi32>
      %swap3A_287 = vector.shape_cast %and3A_283 : vector<16xi32> to vector<16xi32>
      tpu.vector_store %arg8[%swap3A_284], %swap3A_287 {strides = array<i32>} : memref<80xi32, #tpu.memory_space<vmem>>, vector<16xi32>,
      %get3A_288 = arith.index_cast %min3A_116 : i32 to index
      %get3A_289 = arith.constant 64 : index
      %get3A_290 = tpu.vector_load %arg6[%get3A_288, %get3A_289] {strides = array<i32>} : memref<125x80xi32, #tpu.memory_space<vmem>>, vector<1x16xi32>,
      %get3A_291 = vector.shape_cast %get3A_290 : vector<1x16xi32> to vector<16xi32>
      %shift_right_logical3A_292 = arith.constant 16 : i32
      %shift_right_logical3A_293 = vector.broadcast %shift_right_logical3A_292 : i32 to vector<16xi32>
      %shift_right_logical3A_294 = arith.shrui %get3A_291, %shift_right_logical3A_293 : vector<16xi32>
      %swap3A_295 = arith.constant 64 : index
      %swap3A_296 = tpu.vector_load %arg7[%swap3A_295] {strides = array<i32>} : memref<80xi32, #tpu.memory_space<vmem>>, vector<16xi32>,
      %swap3A_297 = vector.shape_cast %swap3A_296 : vector<16xi32> to vector<16xi32>
      %swap3A_298 = vector.shape_cast %shift_right_logical3A_294 : vector<16xi32> to vector<16xi32>
      tpu.vector_store %arg7[%swap3A_295], %swap3A_298 {strides = array<i32>} : memref<80xi32, #tpu.memory_space<vmem>>, vector<16xi32>,
      %and3A_299 = arith.constant 65535 : i32
      %and3A_300 = vector.broadcast %and3A_299 : i32 to vector<16xi32>
      %and3A_301 = arith.andi %get3A_291, %and3A_300 : vector<16xi32>
      %swap3A_302 = arith.constant 64 : index
      %swap3A_303 = tpu.vector_load %arg8[%swap3A_302] {strides = array<i32>} : memref<80xi32, #tpu.memory_space<vmem>>, vector<16xi32>,
      %swap3A_304 = vector.shape_cast %swap3A_303 : vector<16xi32> to vector<16xi32>
      %swap3A_305 = vector.shape_cast %and3A_301 : vector<16xi32> to vector<16xi32>
      tpu.vector_store %arg8[%swap3A_302], %swap3A_305 {strides = array<i32>} : memref<80xi32, #tpu.memory_space<vmem>>, vector<16xi32>,
      %dma_start3A_306 = arith.constant 0 : i32
      %dma_start3A_307 = arith.constant 0 : i32
      %dma_start3A_308 = tpu.memref_slice %arg2[%dma_start3A_306, %dma_start3A_307] : memref<10000x128xf32, #tpu.memory_space<hbm>> -> memref<10000x128xf32, #tpu.memory_space<hbm>>
      tpu.enqueue_indirect_dma source(%dma_start3A_308 : memref<10000x128xf32, #tpu.memory_space<hbm>>) target(%arg11 : memref<80x128xf32, #tpu.memory_space<vmem>>) offsets(%arg7 : memref<80xi32, #tpu.memory_space<vmem>>) semaphore(%arg14 : memref<!tpu.dma_semaphore, #tpu.memory_space<semaphore_mem>>)
      "tpu.region"() ({
        %run_scoped3A = tpu.sem_alloc : memref<!tpu.dma_semaphore, #tpu.memory_space<semaphore_mem>>
        %dma_start3A_309 = arith.constant 0 : i32
        %dma_start3A_310 = arith.constant 0 : i32
        %dma_start3A_311 = tpu.memref_slice %arg13[%dma_start3A_309, %dma_start3A_310] : memref<10000x128xf32, #tpu.memory_space<vmem_shared>> -> memref<10000x128xf32, #tpu.memory_space<vmem_shared>>
        tpu.enqueue_indirect_dma source(%arg12 : memref<80x128xf32, #tpu.memory_space<vmem>>) target(%dma_start3A_311 : memref<10000x128xf32, #tpu.memory_space<vmem_shared>>) offsets(%arg10 : memref<80xi32, #tpu.memory_space<vmem>>) semaphore(%run_scoped3A : memref<!tpu.dma_semaphore, #tpu.memory_space<semaphore_mem>>) {add = true}
        %dma_wait3A_312 = arith.constant 0 : i32
        %dma_wait3A_313 = arith.constant 0 : i32
        %dma_wait3A_314 = tpu.memref_slice %arg13[%dma_wait3A_312, %dma_wait3A_313] : memref<10000x128xf32, #tpu.memory_space<vmem_shared>> -> memref<10000x128xf32, #tpu.memory_space<vmem_shared>>
        tpu.wait_indirect_dma semaphore(%run_scoped3A : memref<!tpu.dma_semaphore, #tpu.memory_space<semaphore_mem>>) src(%arg12 : memref<80x128xf32, #tpu.memory_space<vmem>>) dst(%dma_wait3A_314 : memref<10000x128xf32, #tpu.memory_space<vmem_shared>>)
        tpu.yield
      }) : () -> ()
    }
    %scan3A_100 = arith.constant 62 : i32
    %dma_wait3A = arith.constant 0 : i32
    %dma_wait3A_101 = arith.constant 0 : i32
    %dma_wait3A_102 = tpu.memref_slice %arg2[%dma_wait3A, %dma_wait3A_101] : memref<10000x128xf32, #tpu.memory_space<hbm>> -> memref<10000x128xf32, #tpu.memory_space<hbm>>
    tpu.wait_indirect_dma semaphore(%arg14 : memref<!tpu.dma_semaphore, #tpu.memory_space<semaphore_mem>>) src(%dma_wait3A_102 : memref<10000x128xf32, #tpu.memory_space<hbm>>) dst(%arg11 : memref<80x128xf32, #tpu.memory_space<vmem>>)
    "tpu.region"() ({
      %run_scoped3A = tpu.sem_alloc : memref<!tpu.dma_semaphore, #tpu.memory_space<semaphore_mem>>
      %dma_start3A_109 = arith.constant 0 : i32
      %dma_start3A_110 = arith.constant 0 : i32
      %dma_start3A_111 = tpu.memref_slice %arg13[%dma_start3A_109, %dma_start3A_110] : memref<10000x128xf32, #tpu.memory_space<vmem_shared>> -> memref<10000x128xf32, #tpu.memory_space<vmem_shared>>
      tpu.enqueue_indirect_dma source(%arg11 : memref<80x128xf32, #tpu.memory_space<vmem>>) target(%dma_start3A_111 : memref<10000x128xf32, #tpu.memory_space<vmem_shared>>) offsets(%arg8 : memref<80xi32, #tpu.memory_space<vmem>>) semaphore(%run_scoped3A : memref<!tpu.dma_semaphore, #tpu.memory_space<semaphore_mem>>) {add = true}
      %dma_wait3A_112 = arith.constant 0 : i32
      %dma_wait3A_113 = arith.constant 0 : i32
      %dma_wait3A_114 = tpu.memref_slice %arg13[%dma_wait3A_112, %dma_wait3A_113] : memref<10000x128xf32, #tpu.memory_space<vmem_shared>> -> memref<10000x128xf32, #tpu.memory_space<vmem_shared>>
      tpu.wait_indirect_dma semaphore(%run_scoped3A : memref<!tpu.dma_semaphore, #tpu.memory_space<semaphore_mem>>) src(%arg11 : memref<80x128xf32, #tpu.memory_space<vmem>>) dst(%dma_wait3A_114 : memref<10000x128xf32, #tpu.memory_space<vmem_shared>>)
      tpu.yield
    }) : () -> ()
    %barrier3A_103 = arith.constant 0 : index
    tpu.barrier barrier_id(%barrier3A_103)
    %eq3A_104 = arith.constant 0 : i32
    %eq3A_105 = arith.cmpi eq, %arg1, %eq3A_104 : i32
    %convert_element_type3A_106 = arith.extui %eq3A_105 : i1 to i32
    %cond3A_107 = arith.constant 0 : i32
    %cond3A_108 = arith.cmpi ne, %convert_element_type3A_106, %cond3A_107 : i32
    scf.if %cond3A_108 {
      "tpu.region"() ({
        %run_scoped3A = tpu.sem_alloc : memref<!tpu.dma_semaphore, #tpu.memory_space<semaphore_mem>>
        %dma_start3A_109 = arith.constant 0 : i32
        %dma_start3A_110 = arith.constant 0 : i32
        %dma_start3A_111 = tpu.memref_slice %arg5[%arg0, %dma_start3A_109, %dma_start3A_110] : memref<2x10000x128xf32, #tpu.memory_space<hbm>> -> memref<1x10000x128xf32, #tpu.memory_space<hbm>>
        %dma_start3A_112 = tpu.memref_squeeze %dma_start3A_111 : memref<1x10000x128xf32, #tpu.memory_space<hbm>> -> memref<10000x128xf32, #tpu.memory_space<hbm>>
        tpu.enqueue_dma source(%arg13 : memref<10000x128xf32, #tpu.memory_space<vmem_shared>>) target(%dma_start3A_112 : memref<10000x128xf32, #tpu.memory_space<hbm>>) target_semaphore(%run_scoped3A : memref<!tpu.dma_semaphore, #tpu.memory_space<semaphore_mem>>)
        %dma_wait3A_113 = arith.constant 0 : i32
        %dma_wait3A_114 = arith.constant 0 : i32
        %dma_wait3A_115 = tpu.memref_slice %arg5[%arg0, %dma_wait3A_113, %dma_wait3A_114] : memref<2x10000x128xf32, #tpu.memory_space<hbm>> -> memref<1x10000x128xf32, #tpu.memory_space<hbm>>
        %dma_wait3A_116 = tpu.memref_squeeze %dma_wait3A_115 : memref<1x10000x128xf32, #tpu.memory_space<hbm>> -> memref<10000x128xf32, #tpu.memory_space<hbm>>
        tpu.wait_dma2 semaphore(%run_scoped3A : memref<!tpu.dma_semaphore, #tpu.memory_space<semaphore_mem>>) src(%arg13 : memref<10000x128xf32, #tpu.memory_space<vmem_shared>>) dst(%dma_wait3A_116 : memref<10000x128xf32, #tpu.memory_space<hbm>>)
        tpu.yield
      }) : () -> ()
    } else {
    }
    return
  }
}

module attributes {stable_mosaic.version = 14 : i64} {
  func.func @_tc_b(%arg0: memref<2x10000xf32, #tpu.memory_space<vmem>>, %arg1: memref<10000x128xf32, #tpu.memory_space<vmem>>, %arg2: memref<128x128xf32, #tpu.memory_space<vmem>>, %arg3: memref<10000x128xf32, #tpu.memory_space<vmem>>, %arg4: memref<10000xf32, #tpu.memory_space<vmem>>, %arg5: memref<10000xf32, #tpu.memory_space<vmem>>) attributes {dimension_semantics = [], scalar_prefetch = 0 : i64, scratch_operands = 0 : i64, tpu.core_type = #tpu.core_type<tc>} {
    %get3A = arith.constant 0 : index
    %get3A_0 = arith.constant 0 : index
    %get3A_1 = vector.load %arg0[%get3A, %get3A_0] : memref<2x10000xf32, #tpu.memory_space<vmem>>, vector<1x10000xf32>
    %get3A_2 = vector.shape_cast %get3A_1 : vector<1x10000xf32> to vector<10000xf32>
    %get3A_3 = arith.constant 1 : index
    %get3A_4 = arith.constant 0 : index
    %get3A_5 = vector.load %arg0[%get3A_3, %get3A_4] : memref<2x10000xf32, #tpu.memory_space<vmem>>, vector<1x10000xf32>
    %get3A_6 = vector.shape_cast %get3A_5 : vector<1x10000xf32> to vector<10000xf32>
    %gt3A = arith.constant 0.000000e+00 : f32
    %gt3A_7 = vector.broadcast %gt3A : f32 to vector<10000xf32>
    %gt3A_8 = arith.cmpf ogt, %get3A_2, %gt3A_7 : vector<10000xf32>
    %max3A = arith.constant 1.000000e+00 : f32
    %max3A_9 = vector.broadcast %max3A : f32 to vector<10000xf32>
    %max3A_10 = arith.maximumf %get3A_2, %max3A_9 : vector<10000xf32>
    %rsqrt3A = math.rsqrt %max3A_10 : vector<10000xf32>
    %jit3A = arith.constant 0.000000e+00 : f32
    %broadcast_in_dim3A = vector.broadcast %jit3A : f32 to vector<10000xf32>
    %select_n3A = arith.select %gt3A_8, %rsqrt3A, %broadcast_in_dim3A : vector<10000xi1>, vector<10000xf32>
    %gt3A_11 = arith.constant 0.000000e+00 : f32
    %gt3A_12 = vector.broadcast %gt3A_11 : f32 to vector<10000xf32>
    %gt3A_13 = arith.cmpf ogt, %get3A_6, %gt3A_12 : vector<10000xf32>
    %max3A_14 = arith.constant 1.000000e+00 : f32
    %max3A_15 = vector.broadcast %max3A_14 : f32 to vector<10000xf32>
    %max3A_16 = arith.maximumf %get3A_6, %max3A_15 : vector<10000xf32>
    %rsqrt3A_17 = math.rsqrt %max3A_16 : vector<10000xf32>
    %jit3A_18 = arith.constant 0.000000e+00 : f32
    %broadcast_in_dim3A_19 = vector.broadcast %jit3A_18 : f32 to vector<10000xf32>
    %select_n3A_20 = arith.select %gt3A_13, %rsqrt3A_17, %broadcast_in_dim3A_19 : vector<10000xi1>, vector<10000xf32>
    %swap3A = arith.constant 0 : index
    %swap3A_21 = vector.load %arg4[%swap3A] : memref<10000xf32, #tpu.memory_space<vmem>>, vector<10000xf32>
    tpu.vector_store %arg4[%swap3A], %select_n3A {strides = array<i32>} : memref<10000xf32, #tpu.memory_space<vmem>>, vector<10000xf32>,
    %swap3A_22 = arith.constant 0 : index
    %swap3A_23 = vector.load %arg5[%swap3A_22] : memref<10000xf32, #tpu.memory_space<vmem>>, vector<10000xf32>
    tpu.vector_store %arg5[%swap3A_22], %select_n3A_20 {strides = array<i32>} : memref<10000xf32, #tpu.memory_space<vmem>>, vector<10000xf32>,
    %get3A_24 = arith.constant 0 : index
    %get3A_25 = arith.constant 0 : index
    %get3A_26 = vector.load %arg1[%get3A_24, %get3A_25] : memref<10000x128xf32, #tpu.memory_space<vmem>>, vector<10000x128xf32>
    %broadcast_in_dim3A_27 = vector.shape_cast %select_n3A : vector<10000xf32> to vector<10000x1xf32>
    %mul3A = vector.broadcast %broadcast_in_dim3A_27 : vector<10000x1xf32> to vector<10000x128xf32>
    %mul3A_28 = arith.mulf %get3A_26, %mul3A : vector<10000x128xf32>
    %get3A_29 = arith.constant 0 : index
    %get3A_30 = arith.constant 0 : index
    %get3A_31 = vector.load %arg2[%get3A_29, %get3A_30] : memref<128x128xf32, #tpu.memory_space<vmem>>, vector<128x128xf32>
    %dot_general3A = arith.constant dense<0.000000e+00> : vector<10000x128xf32>
    %dot_general3A_32 = tpu.matmul %mul3A_28, %get3A_31, %dot_general3A {dimension_numbers = #tpu.dot_dimension_numbers<[1], [0], [0], [1], [0, 0, 1, 1], [], []>, transpose_lhs_hint = false} : vector<10000x128xf32>, vector<128x128xf32>, vector<10000x128xf32> -> vector<10000x128xf32>
    %swap3A_33 = arith.constant 0 : index
    %swap3A_34 = arith.constant 0 : index
    %swap3A_35 = vector.load %arg3[%swap3A_33, %swap3A_34] : memref<10000x128xf32, #tpu.memory_space<vmem>>, vector<10000x128xf32>
    tpu.vector_store %arg3[%swap3A_33, %swap3A_34], %dot_general3A_32 {strides = array<i32>} : memref<10000x128xf32, #tpu.memory_space<vmem>>, vector<10000x128xf32>,
    return
  }
}

module attributes {stable_mosaic.version = 14 : i64} {
  func.func @_tc_c(%arg0: memref<2x10000x128xf32, #tpu.memory_space<vmem>>, %arg1: memref<10000xf32, #tpu.memory_space<vmem>>, %arg2: memref<128xf32, #tpu.memory_space<vmem>>, %arg3: memref<10000xf32, #tpu.memory_space<vmem>>, %arg4: memref<10000x128xf32, #tpu.memory_space<vmem>>) attributes {dimension_semantics = [], scalar_prefetch = 0 : i64, scratch_operands = 0 : i64, tpu.core_type = #tpu.core_type<tc>} {
    %get3A = arith.constant 0 : index
    %get3A_0 = arith.constant 0 : index
    %get3A_1 = arith.constant 0 : index
    %get3A_2 = vector.load %arg0[%get3A, %get3A_0, %get3A_1] : memref<2x10000x128xf32, #tpu.memory_space<vmem>>, vector<1x10000x128xf32>
    %get3A_3 = vector.shape_cast %get3A_2 : vector<1x10000x128xf32> to vector<10000x128xf32>
    %get3A_4 = arith.constant 1 : index
    %get3A_5 = arith.constant 0 : index
    %get3A_6 = arith.constant 0 : index
    %get3A_7 = vector.load %arg0[%get3A_4, %get3A_5, %get3A_6] : memref<2x10000x128xf32, #tpu.memory_space<vmem>>, vector<1x10000x128xf32>
    %get3A_8 = vector.shape_cast %get3A_7 : vector<1x10000x128xf32> to vector<10000x128xf32>
    %add3A = arith.addf %get3A_3, %get3A_8 : vector<10000x128xf32>
    %get3A_9 = arith.constant 0 : index
    %get3A_10 = vector.load %arg1[%get3A_9] : memref<10000xf32, #tpu.memory_space<vmem>>, vector<10000xf32>
    %broadcast_in_dim3A = vector.shape_cast %get3A_10 : vector<10000xf32> to vector<10000x1xf32>
    %mul3A = vector.broadcast %broadcast_in_dim3A : vector<10000x1xf32> to vector<10000x128xf32>
    %mul3A_11 = arith.mulf %add3A, %mul3A : vector<10000x128xf32>
    %get3A_12 = arith.constant 0 : index
    %get3A_13 = vector.load %arg2[%get3A_12] : memref<128xf32, #tpu.memory_space<vmem>>, vector<128xf32>
    %broadcast_in_dim3A_14 = vector.shape_cast %get3A_13 : vector<128xf32> to vector<1x128xf32>
    %add3A_15 = vector.broadcast %broadcast_in_dim3A_14 : vector<1x128xf32> to vector<10000x128xf32>
    %add3A_16 = arith.addf %mul3A_11, %add3A_15 : vector<10000x128xf32>
    %max3A = arith.constant 0.000000e+00 : f32
    %max3A_17 = vector.broadcast %max3A : f32 to vector<10000x128xf32>
    %max3A_18 = arith.maximumf %add3A_16, %max3A_17 : vector<10000x128xf32>
    %get3A_19 = arith.constant 0 : index
    %get3A_20 = vector.load %arg3[%get3A_19] : memref<10000xf32, #tpu.memory_space<vmem>>, vector<10000xf32>
    %broadcast_in_dim3A_21 = vector.shape_cast %get3A_20 : vector<10000xf32> to vector<10000x1xf32>
    %mul3A_22 = vector.broadcast %broadcast_in_dim3A_21 : vector<10000x1xf32> to vector<10000x128xf32>
    %mul3A_23 = arith.mulf %max3A_18, %mul3A_22 : vector<10000x128xf32>
    %swap3A = arith.constant 0 : index
    %swap3A_24 = arith.constant 0 : index
    %swap3A_25 = vector.load %arg4[%swap3A, %swap3A_24] : memref<10000x128xf32, #tpu.memory_space<vmem>>, vector<10000x128xf32>
    tpu.vector_store %arg4[%swap3A, %swap3A_24], %mul3A_23 {strides = array<i32>} : memref<10000x128xf32, #tpu.memory_space<vmem>>, vector<10000x128xf32>,
    return
  }
}

module attributes {stable_mosaic.version = 14 : i64} {
  func.func @_tc_d(%arg0: memref<2x10000x128xf32, #tpu.memory_space<vmem>>, %arg1: memref<10000xf32, #tpu.memory_space<vmem>>, %arg2: memref<40xf32, #tpu.memory_space<vmem>>, %arg3: memref<128x40xf32, #tpu.memory_space<vmem>>, %arg4: memref<10000x40xf32, #tpu.memory_space<vmem>>) attributes {dimension_semantics = [], scalar_prefetch = 0 : i64, scratch_operands = 0 : i64, tpu.core_type = #tpu.core_type<tc>} {
    %get3A = arith.constant 0 : index
    %get3A_0 = arith.constant 0 : index
    %get3A_1 = arith.constant 0 : index
    %get3A_2 = vector.load %arg0[%get3A, %get3A_0, %get3A_1] : memref<2x10000x128xf32, #tpu.memory_space<vmem>>, vector<1x10000x128xf32>
    %get3A_3 = vector.shape_cast %get3A_2 : vector<1x10000x128xf32> to vector<10000x128xf32>
    %get3A_4 = arith.constant 1 : index
    %get3A_5 = arith.constant 0 : index
    %get3A_6 = arith.constant 0 : index
    %get3A_7 = vector.load %arg0[%get3A_4, %get3A_5, %get3A_6] : memref<2x10000x128xf32, #tpu.memory_space<vmem>>, vector<1x10000x128xf32>
    %get3A_8 = vector.shape_cast %get3A_7 : vector<1x10000x128xf32> to vector<10000x128xf32>
    %add3A = arith.addf %get3A_3, %get3A_8 : vector<10000x128xf32>
    %get3A_9 = arith.constant 0 : index
    %get3A_10 = vector.load %arg1[%get3A_9] : memref<10000xf32, #tpu.memory_space<vmem>>, vector<10000xf32>
    %broadcast_in_dim3A = vector.shape_cast %get3A_10 : vector<10000xf32> to vector<10000x1xf32>
    %mul3A = vector.broadcast %broadcast_in_dim3A : vector<10000x1xf32> to vector<10000x128xf32>
    %mul3A_11 = arith.mulf %add3A, %mul3A : vector<10000x128xf32>
    %get3A_12 = arith.constant 0 : index
    %get3A_13 = arith.constant 0 : index
    %get3A_14 = vector.load %arg3[%get3A_12, %get3A_13] : memref<128x40xf32, #tpu.memory_space<vmem>>, vector<128x40xf32>
    %dot_general3A = arith.constant dense<0.000000e+00> : vector<10000x40xf32>
    %dot_general3A_15 = tpu.matmul %mul3A_11, %get3A_14, %dot_general3A {dimension_numbers = #tpu.dot_dimension_numbers<[1], [0], [0], [1], [0, 0, 1, 1], [], []>, transpose_lhs_hint = false} : vector<10000x128xf32>, vector<128x40xf32>, vector<10000x40xf32> -> vector<10000x40xf32>
    %get3A_16 = arith.constant 0 : index
    %get3A_17 = vector.load %arg2[%get3A_16] : memref<40xf32, #tpu.memory_space<vmem>>, vector<40xf32>
    %broadcast_in_dim3A_18 = vector.shape_cast %get3A_17 : vector<40xf32> to vector<1x40xf32>
    %add3A_19 = vector.broadcast %broadcast_in_dim3A_18 : vector<1x40xf32> to vector<10000x40xf32>
    %add3A_20 = arith.addf %dot_general3A_15, %add3A_19 : vector<10000x40xf32>
    %swap3A = arith.constant 0 : index
    %swap3A_21 = arith.constant 0 : index
    %swap3A_22 = vector.load %arg4[%swap3A, %swap3A_21] : memref<10000x40xf32, #tpu.memory_space<vmem>>, vector<10000x40xf32>
    tpu.vector_store %arg4[%swap3A, %swap3A_21], %add3A_20 {strides = array<i32>} : memref<10000x40xf32, #tpu.memory_space<vmem>>, vector<10000x40xf32>,
    return
  }
}

</mosaic_0001>

<sc_bundles>
// kernel: kernel.11.cloned.1.call-start
scs
__scs_entry_jumppad:
0x0: {  	(pc) =	sbr.rel $0x88, $3  }
0x1: {  	(tag) =	ssettag $0x0;
	lr =	simm.s32 $0x1  }
0x2: {  	[smem:$0x3F9B] =	sst lr;
	_ =	strace $0xD0000000  }
0x3: {  	_ = 	snop  }
0x4: {  	_ = 	snop  }
0x5: {  	_ = 	snop  }
0x6: {  	_ = 	snop  }
0x7: {  	_ = 	snop  }
__scs_overlays_trampoline_lowered:
0x8: {  	[smem:$0x3FAA] =	sst s0  }
0x9: {  	[smem:$0x3FAB] =	sst s1  }
0xa: {  	[smem:$0x3FAC] =	sst s2  }
0xb: {  	[smem:$0x3FAD] =	sst s3  }
0xc: {  	[smem:$0x3FAE] =	sst s4  }
0xd: {  	[smem:$0x3FAF] =	sst s5  }
0xe: {  	[smem:$0x3FB0] =	sst s6  }
0xf: {  	[smem:$0x3FB1] =	sst s7  }
0x10: {  	[smem:$0x3FB2] =	sst s8  }
0x11: {  	[smem:$0x3FB3] =	sst s9;
	s0 =	simm.s32 @!p0 $0x0  }
0x12: {  	s1 =	sld [smem:$0x3F99];
	s0 =	simm.s32 @p0 $0x1  }
0x13: {  	[smem:$0x3FB4] =	sst s0;
	s0 =	simm.s32 @!p1 $0x0  }
0x14: {  	s2 =	sld [smem:$0x3F98];
	s0 =	simm.s32 @p1 $0x1  }
0x15: {  	[smem:$0x3FB5] =	sst s0;
	s0 =	simm.s32 @!p2 $0x0  }
0x16: {  	s3 =	sld [smem:$0x3FDB];
	s0 =	simm.s32 @p2 $0x1  }
0x17: {  	s4 =	simm.s32 $0x1BF5;
	[smem:$0x3FB7] =	sst s0  }
0x18: {  	s0 =	sld [smem:$0x3F9A];
	_ =	swait.ge [sflag:s4], $0x0  }
0x19: {  	s7 =	sld [smem:$0x3F9B]  }
0x1a: {  	s8 =	sadd.s32 $0xFFFFE003, lr  }
0x1b: {  	s9 =	sadd.s32 $0xFFFFFEF7, lr;
	s5 =	simm.s32 $0xFFFFFFFF;
	p2 =	slt.u32 s8, $0xFFFFF086  }
0x1c: {  	p1 =	slt.u32 s9, $0xF7A;
	s5 =	simm.s32 @!p2 $0x0  }
0x1d: {  	s5 =	simm.s32 @p1 $0x1;
	p0 =	seq.s32 s7, s2  }
0x1e: {  	s7 =	smul.u32 @!p0 $0xF7A, s2;
	p2 =	seq.s32 @!p0 s5, $0x0  }
0x1f: {  	s9 =	smul.u32 $0xF7A, s1;
	s8 =	simm.s32 @!p0 $0x1BF5;
	p2 =	por !p2, p0  }
0x20: {  	[sflag:s8] =	ssyncset.s32 @!p0 $0xFFFFF086;
	s6 =	sadd.s32 @!p0 s3, s7;
	s7 =	simm.s32 @!p0 $0x108  }
0x21: {  	s3 =	sadd.s32 s3, s9;
	s6 =	sadd.s32 @!p0 $0x88, s6;
	s7 =	simm.s32 @p2 $0x1082  }
0x22: {  	[simem:s7], [sflag:s8] =	dma.local @!p0 [hbm:s6], $0xF7A  }
0x23: {  	s9 =	sor.u32 $0xD0000000, s2;
	s6 =	simm.s32 $0x108;
	_ =	swait.ge @!p0 [sflag:s8], $0x0  }
0x24: {  	s3 =	sadd.s32 $0x88, s3;
	s6 =	simm.s32 @!p1 $0x1082;
	[sflag:s4] =	ssyncset.s32 $0xFFFFF086  }
0x25: {  	[simem:s6], [sflag:s4] =	dma.local [hbm:s3], $0xF7A  }
0x26: {  	[smem:$0x3F9B] =	sst s1;
	(tag) =	ssettag s2;
	_ =	strace s9  }
0x27: {  	s1 =	sld [smem:$0x3FAB]  }
0x28: {  	s2 =	sld [smem:$0x3FAC]  }
0x29: {  	s4 =	sld [smem:$0x3FAE]  }
0x2a: {  	p0 =	seq.s32 s5, $0x0;
	s5 =	sld [smem:$0x3FAF]  }
0x2b: {  	s6 =	sld [smem:$0x3FB0]  }
0x2c: {  	s7 =	sld [smem:$0x3FB1]  }
0x2d: {  	s3 =	simm.s32 $0x108;
	s8 =	sld [smem:$0x3FB2]  }
0x2e: {  	s3 =	simm.s32 @!p0 $0x1082;
	s9 =	sld [smem:$0x3FB3]  }
0x2f: {  	lr =	sadd.s32 s0, s3;
	s0 =	sld [smem:$0x3FAA]  }
0x30: {  	s3 =	sld [smem:$0x3FAD]  }
0x31: {  	[smem:$0x3FB6] =	sst s10  }
0x32: {  	s10 =	sld [smem:$0x3FB4];
	_ =	sdelay $0x3  }
0x33: {  	p0 =	seq.s32 s10, $0x1;
	s10 =	sld [smem:$0x3FB6];
	_ =	sdelay $0x3  }
0x34: {  	[smem:$0x3FB6] =	sst s10  }
0x35: {  	s10 =	sld [smem:$0x3FB5];
	_ =	sdelay $0x3  }
0x36: {  	p1 =	seq.s32 s10, $0x1;
	s10 =	sld [smem:$0x3FB6];
	_ =	sdelay $0x3  }
0x37: {  	[smem:$0x3FB6] =	sst s10  }
0x38: {  	s10 =	sld [smem:$0x3FB7]  }
0x39: {  	_ = 	snop;
	(pc) =	sbr.ind lr, $3  }
0x3a: {  	_ = 	snop  }
0x3b: {  	_ = 	snop  }
0x3c: {  	p2 =	seq.s32 s10, $0x1;
	s10 =	sld [smem:$0x3FB6]  }
0x3d: {  	_ =	shalt  }
0x3e: {  	_ =	shalt  }
0x3f: {  	_ =	shalt  }
0x40: {  	_ =	shalt  }
0x41: {  	_ =	shalt  }
0x42: {  	_ =	shalt  }
0x43: {  	_ =	shalt  }
0x44: {  	_ =	shalt  }
0x45: {  	_ =	shalt  }
0x46: {  	_ =	shalt  }
0x47: {  	_ =	shalt  }
0x48: {  	_ =	shalt  }
0x49: {  	_ =	shalt  }
0x4a: {  	_ =	shalt  }
0x4b: {  	_ =	shalt  }
0x4c: {  	_ =	shalt  }
0x4d: {  	_ =	shalt  }
0x4e: {  	_ =	shalt  }
0x4f: {  	_ =	shalt  }
0x50: {  	_ =	shalt  }
0x51: {  	_ =	shalt  }
0x52: {  	_ =	shalt  }
0x53: {  	_ =	shalt  }
0x54: {  	_ =	shalt  }
0x55: {  	_ =	shalt  }
0x56: {  	_ =	shalt  }
0x57: {  	_ =	shalt  }
0x58: {  	_ =	shalt  }
0x59: {  	_ =	shalt  }
0x5a: {  	_ =	shalt  }
0x5b: {  	_ =	shalt  }
0x5c: {  	_ =	shalt  }
0x5d: {  	_ =	shalt  }
0x5e: {  	_ =	shalt  }
0x5f: {  	_ =	shalt  }
0x60: {  	_ =	shalt  }
0x61: {  	_ =	shalt  }
0x62: {  	_ =	shalt  }
0x63: {  	_ =	shalt  }
0x64: {  	_ =	shalt  }
0x65: {  	_ =	shalt  }
0x66: {  	_ =	shalt  }
0x67: {  	_ =	shalt  }
0x68: {  	_ =	shalt  }
0x69: {  	_ =	shalt  }
0x6a: {  	_ =	shalt  }
0x6b: {  	_ =	shalt  }
0x6c: {  	_ =	shalt  }
0x6d: {  	_ =	shalt  }
0x6e: {  	_ =	shalt  }
0x6f: {  	_ =	shalt  }
0x70: {  	_ =	shalt  }
0x71: {  	_ =	shalt  }
0x72: {  	_ =	shalt  }
0x73: {  	_ =	shalt  }
0x74: {  	_ =	shalt  }
0x75: {  	_ =	shalt  }
0x76: {  	_ =	shalt  }
0x77: {  	_ =	shalt  }
0x78: {  	_ =	shalt  }
0x79: {  	_ =	shalt  }
0x7a: {  	_ =	shalt  }
0x7b: {  	_ =	shalt  }
0x7c: {  	_ =	shalt  }
0x7d: {  	_ =	shalt  }
0x7e: {  	_ =	shalt  }
0x7f: {  	_ =	shalt  }
0x80: {  	_ =	shalt  }
0x81: {  	_ =	shalt  }
0x82: {  	_ =	shalt  }
0x83: {  	_ =	shalt  }
0x84: {  	_ =	shalt  }
0x85: {  	_ =	shalt  }
0x86: {  	_ =	shalt  }
0x87: {  	_ =	shalt  }
.Lfunc_end0:
.L_simem_size_0:
called_computation.1_lowered:
.L_overlay_start_0:
0x88: {  	s2 =	sld [smem:$0x3FD9]  }
0x89: {  	s3 =	sld [smem:$0x3FFE];
	_ =	sdelay $0x1  }
0x8a: {  	s1 =	srdreg.scid  }
0x8b: {  	s0 =	sand.u32 $0x1, s1  }
0x8c: {  	s16 =	sshll.u32 s0, $0xA;
	s2 =	sadd.s32 s3, s2  }
0x8d: {  	s2 =	sadd.s32 s2, s16  }
0x8e: {  	[smem:$0x3FC2] =	sst s2  }
0x8f: {  	_ = 	snop  }
0x90: {  	(tm) =	ssettm $0x1  }
0x91: {  	s17 =	sld [smem:$0x3FFB];
	_ =	sdelay $0x3  }
0x92: {  	_ =	strace s17  }
0x93: {  	s2 =	sld [smem:$0x3FFC];
	_ =	sdelay $0x3  }
0x94: {  	_ =	strace s2  }
0x95: {  	s2 =	sld [smem:$0x3FFD];
	_ =	sdelay $0x3  }
0x96: {  	_ =	strace s2  }
0x97: {  	_ =	strace $0x8FFFFFFF  }
0x98: {  	s18 =	sld [smem:$0x3FDB];
	_ =	sdelay $0x1  }
0x99: {  	s19 =	simm.s32 $_scs_section_size  }
0x9a: {  	s4 =	simm.s32 $_size__tile_overlayer_lowered;
	s5 =	simm.s32 $_tile_overlayer_lowered  }
0x9b: {  	s22 =	simm.s32 $0x1BFF;
	s21 =	sshll.u32 s5, $0x1;
	s2 =	sadd.s32 s19, s18  }
0x9c: {  	s6 =	simm.s32 $0x0;
	s20 =	sshll.u32 s4, $0x1;
	s4 =	sadd.s32 s21, s2  }
0x9d: {  	[timem:s6], [sflag:s22] =	dma.local [hbm:s4], s20  }
0x9e: {  	_ =	swait.ge [sflag:s22], s20  }
0x9f: {  	s3 =	ssub.s32 $0x0, s20;
	[sflag:s22] =	ssyncset.done $0x0  }
0xa0: {  	[sflag:s22] =	ssyncadd.s32 s3;
	_ =	sdelay $0x1  }
0xa1: {  	s23 =	simm.s32 $0x1B8B  }
0xa2: {  	_ =	swait.ge [sflag:s23], $0x1  }
0xa3: {  	[sflag:s23] =	ssyncset.done $0x0  }
0xa4: {  	s25 =	simm.s32 $0x1B8E;
	s24 =	sld [smem:$0x3FFE];
	[sflag:s23] =	ssyncadd.s32 $0xFFFFFFFF  }
0xa5: {  	s26 =	simm.s32 $execute0_lowered;
	[smem:$0x3FD2] =	sst s25  }
0xa6: {  	s4 =	sshll.u32 s26, $0x1;
	_ =	strace $0x80000049;
	[dreg:$0x1] =	wrdreg $0xFFFFFFFF  }
0xa7: {  	s28 =	simm.s32 $_size_execute0_lowered;
	s2 =	sadd.s32 s2, s4;
	[dreg:$0x0] =	wrdreg $0x0  }
0xa8: {  	s4 =	sshll.u32 s28, $0x1;
	[dreg:$0x2] =	wrdreg s2  }
0xa9: {  	[dreg:$0x3] =	wrdreg s4  }
0xaa: {  	[dreg:$0x4] =	wrdreg $0xC0  }
0xab: {  	_ =	task [dreg:s6], $0x5FFFF  }
0xac: {  	[dreg:$0x1] =	wrdreg $0xFFFFFFFF  }
0xad: {  	[dreg:$0x0] =	wrdreg $0x60  }
0xae: {  	[dreg:$0x2] =	wrdreg s24  }
0xaf: {  	[dreg:$0x3] =	wrdreg $0x92000  }
0xb0: {  	[dreg:$0x4] =	wrdreg $0x9  }
0xb1: {  	_ =	task.clear_ibuf [dreg:s6], $0x5FFFF;
	_ =	strace $0x90000049  }
0xb2: {  	s29 =	simm.s32 $0x9;
	_ =	strace $0x8000004B  }
0xb3: {  	_ =	swait.ge [sflag:s29], $0x1  }
0xb4: {  	[sflag:s29] =	ssyncadd.s32 $0xFFFFFFFF  }
0xb5: {  	_ =	strace $0x9000004B  }
0xb6: {  	_ =	sfence  }
0xb7: {  	s30 =	sld [smem:$0x0];
	_ =	sdelay $0x2  }
0xb8: {  	s31 =	sshll.u32 s1, $0xD;
	s1 =	sshrl.u32 s1, $0x2  }
0xb9: {  	s3 =	sand.u32 $0x4000, s31;
	s1 =	sadd.s32 s1, s30  }
0xba: {  	s0 =	sor.u32 s3, s0;
	s1 =	sshll.u32 s1, $0x11  }
0xbb: {  	s0 =	sor.u32 s1, s0  }
0xbc: {  	s0 =	sadd.s32 $0x8F2B, s0  }
0xbd: {  	[sflag:s0] =	ssyncadd.remote.s32 $0x1  }
0xbe: {  	_ =	sfence.sel $0xFFFF  }
0xbf: {  	[dreg:$0x0] =	wrdreg $0xFFFFFFFF;
	(pc) =	sbr.abs _section_cstart, $3  }
0xc0: {  	[dreg:$0x1] =	wrdreg $0xFFFFFFFF  }
0xc1: {  	_ =	task.clear_ibuf [dreg:s6], $0x2FFFF;
	_ =	strace $0x9FFFFFFF  }
0xc2: {  	(tm) =	ssettm $0x7FFFFFFF  }
0xc3: {  	_ =	shalt  }
tec
execute0_lowered:
.L_overlay_start_1:
0x0: {  	(tag) =	ssettag $0x1  }
0x1: {  	s5 =	rddreg [dreg:$0x0]  }
0x2: {  	s1 =	rddreg [dreg:$0x1]  }
0x3: {  	s0 =	rddreg [dreg:$0x2]  }
0x4: {  	s2 =	simm.s32 $0x0;
	s8 =	stileid.u32;
	s6 =	srdreg.scid  }
0x5: {  	s12 =	simm.s32 $0x4200;
	s13 =	simm.s32 $0x1;
	s14 =	simm.s32 $0x4100  }
0x6: {  	s15 =	simm.s32 $0x6A00;
	s16 =	simm.s32 $0x4080;
	s17 =	simm.s32 $0x2  }
0x7: {  	s18 =	simm.s32 $0x4180;
	s19 =	simm.s32 $0x0;
	[smem:$0x7FF] =	sst s2  }
0x8: {  	s4 =	sshll.u32 s8, $0xB;
	s3 =	sadd.s32 $0x2BE00, s5;
	s31 =	sand.u32 $0x1, s6  }
0x9: {  	p0 =	sne.s32 s8, $0x0;
	s8 =	simm.s32 $0x3;
	_ =	strace $0x8000004A  }
0xa: {  	s7 =	sadd.s32 s4, s5;
	s6 =	smul.u32 $0x27100, s31;
	s9 =	ssub.s32 $0x2, s31  }
0xb: {  	s10 =	sshll.u32 s31, $0xF;
	s4 =	sadd.s32 $0x53000, s5;
	s11 =	sshrl.u32 s9, $0x1  }
0xc: {  	s7 =	sadd.s32 s10, s7;
	s10 =	simm.s32 $0x50;
	s6 =	sadd.s32 s6, s5  }
0xd: {  	s9 =	ssub.s32 s9, s11;
	s5 =	sadd.s32 $0x1BE00, s7;
	s11 =	simm.s32 $0x4000  }
0xe: {  	s6 =	sadd.s32 $0x7A200, s6;
	s7 =	smax.u32 s9, $0x1;
	s9 =	sshrl.u32 @!p0 s1, $0x3  }
.LBB2_1:
0xf: {  	[tilespmem:s2], [sflag:$0x3] =	stream.linear.gather [hbm4b:s5+s2], $0x3E80, $0x38;
	[tilespmem:$0x1CA80] =	vst v63  }
0x10: {  	_ =	swait.ge [sflag:s8], $0x3E80  }
0x11: {  	[sflag:s8] =	ssyncset.done $0x0  }
0x12: {  	s20 =	simm.s32 @!p0 $0x1C03;
	[sflag:s8] =	ssyncadd.s32 $0xFFFFC180  }
0x13: {  	[spmem:s9], [sflag:s20] =	dma.local @!p0 [hbm:s4], $0x27100  }
0x14: {  	s20 =	simm.s32 @!p0 $0x3  }
0x15: {  	_ =	swait.ge @!p0 [sflag:s20], $0x27100  }
0x16: {  	[sflag:s20] =	ssyncset.done @!p0 $0x0  }
0x17: {  	[sflag:s20] =	ssyncadd.s32 @!p0 $0xFFFD8F00  }
0x18: {  	[bflag:$0x0] =	sbarrier.arrive $0xFFFF  }
0x19: {  	v0 =	vld [tilespmem:$0x0];
	_ =	sdelay $0x1  }
0x1a: {  	v1 =	vld [tilespmem:$0x10];
	_ =	sdelay $0x1  }
0x1b: {  	v2 =	vld [tilespmem:$0x20]  }
0x1c: {  	v3 =	vshrl.u32 v0, $0x10  }
0x1d: {  	v0 =	vand.u32 $0xFFFF, v0;
	[tilespmem:$0x4000] =	vst v3;
	v3 =	vld [tilespmem:$0x30]  }
0x1e: {  	[tilespmem:$0x4080] =	vst v0;
	v0 =	vshrl.u32 v1, $0x10  }
0x1f: {  	[tilespmem:$0x4010] =	vst v0;
	v0 =	vand.u32 $0xFFFF, v1;
	v1 =	vld [tilespmem:$0x40]  }
0x20: {  	[tilespmem:$0x4090] =	vst v0;
	v0 =	vshrl.u32 v2, $0x10  }
0x21: {  	[tilespmem:$0x4020] =	vst v0;
	v0 =	vand.u32 $0xFFFF, v2  }
0x22: {  	[tilespmem:$0x40A0] =	vst v0;
	v0 =	vshrl.u32 v3, $0x10  }
0x23: {  	[tilespmem:$0x4030] =	vst v0;
	v0 =	vand.u32 $0xFFFF, v3  }
0x24: {  	[tilespmem:$0x40B0] =	vst v0;
	v0 =	vshrl.u32 v1, $0x10  }
0x25: {  	[tilespmem:$0x4040] =	vst v0;
	v0 =	vand.u32 $0xFFFF, v1  }
0x26: {  	[tilespmem:$0x40C0] =	vst v0  }
0x27: {  	[tilespmem:s12], [sflag:$0x1] =	stream.indirect.gather [hbm4b:s3+s10], $0x80, s11, s10, $0xb8;
	[tilespmem:$0x1CA80] =	vst v63  }
0x28: {  	_ =	swait.ge [sflag:s13], $0x2800  }
0x29: {  	[sflag:s13] =	ssyncset.done $0x0  }
0x2a: {  	s21 =	simm.s32 $0x140;
	[sflag:s13] =	ssyncadd.s32 $0xFFFFD800  }
0x2b: {  	v0 =	vld [tilespmem:s21+$0xFFFFFF40];
	_ =	sdelay $0x4  }
0x2c: {  	v1 =	vshrl.u32 v0, $0x10  }
0x2d: {  	v0 =	vand.u32 $0xFFFF, v0;
	[tilespmem:$0x4100] =	vst v1  }
0x2e: {  	[tilespmem:$0x4180] =	vst v0  }
0x2f: {  	v0 =	vld [tilespmem:s21+$0xFFFFFF50];
	_ =	sdelay $0x4  }
0x30: {  	v1 =	vshrl.u32 v0, $0x10  }
0x31: {  	v0 =	vand.u32 $0xFFFF, v0;
	[tilespmem:$0x4110] =	vst v1  }
0x32: {  	[tilespmem:$0x4190] =	vst v0  }
0x33: {  	v0 =	vld [tilespmem:s21+$0xFFFFFF60];
	_ =	sdelay $0x4  }
0x34: {  	v1 =	vshrl.u32 v0, $0x10  }
0x35: {  	v0 =	vand.u32 $0xFFFF, v0;
	[tilespmem:$0x4120] =	vst v1  }
0x36: {  	[tilespmem:$0x41A0] =	vst v0  }
0x37: {  	v0 =	vld [tilespmem:s21+$0xFFFFFF70];
	_ =	sdelay $0x4  }
0x38: {  	v1 =	vshrl.u32 v0, $0x10  }
0x39: {  	v0 =	vand.u32 $0xFFFF, v0;
	[tilespmem:$0x4130] =	vst v1  }
0x3a: {  	[tilespmem:$0x41B0] =	vst v0  }
0x3b: {  	v0 =	vld [tilespmem:s21+$0xFFFFFF80];
	_ =	sdelay $0x4  }
0x3c: {  	v1 =	vshrl.u32 v0, $0x10  }
0x3d: {  	v0 =	vand.u32 $0xFFFF, v0;
	[tilespmem:$0x4140] =	vst v1  }
0x3e: {  	[tilespmem:$0x41C0] =	vst v0  }
0x3f: {  	[tilespmem:s15], [sflag:$0x2] =	stream.indirect.gather [hbm4b:s3+s10], $0x80, s14, s10, $0xb8;
	[tilespmem:$0x1CA80] =	vst v63  }
0x40: {  	_ = 	snop  }
0x41: {  	[spmem:s1] =	stream.indirect.scatter.add.f32 [tilespmem:s12], [sflag:$0x3], $0x80, s16, s10, $0xb8;
	[tilespmem:$0x1CA80] =	vst v63  }
0x42: {  	_ =	swait.ge [sflag:s8], $0x2800  }
0x43: {  	[sflag:s8] =	ssyncset.done $0x0  }
0x44: {  	[sflag:s8] =	ssyncadd.s32 $0xFFFFD800  }
0x45: {  	_ =	swait.ge [sflag:s17], $0x2800  }
0x46: {  	[sflag:s17] =	ssyncset.done $0x0  }
0x47: {  	[sflag:s17] =	ssyncadd.s32 $0xFFFFD800  }
0x48: {  	v0 =	vld [tilespmem:s21+$0xFFFFFFC0];
	_ =	sdelay $0x4  }
0x49: {  	v1 =	vshrl.u32 v0, $0x10  }
0x4a: {  	v0 =	vand.u32 $0xFFFF, v0;
	[tilespmem:$0x4000] =	vst v1  }
0x4b: {  	[tilespmem:$0x4080] =	vst v0  }
0x4c: {  	v0 =	vld [tilespmem:s21+$0xFFFFFFD0];
	_ =	sdelay $0x4  }
0x4d: {  	v1 =	vshrl.u32 v0, $0x10  }
0x4e: {  	v0 =	vand.u32 $0xFFFF, v0;
	[tilespmem:$0x4010] =	vst v1  }
0x4f: {  	[tilespmem:$0x4090] =	vst v0  }
0x50: {  	v0 =	vld [tilespmem:s21+$0xFFFFFFE0];
	_ =	sdelay $0x4  }
0x51: {  	v1 =	vshrl.u32 v0, $0x10  }
0x52: {  	v0 =	vand.u32 $0xFFFF, v0;
	[tilespmem:$0x4020] =	vst v1  }
0x53: {  	[tilespmem:$0x40A0] =	vst v0  }
0x54: {  	v0 =	vld [tilespmem:s21+$0xFFFFFFF0];
	_ =	sdelay $0x4  }
0x55: {  	v1 =	vshrl.u32 v0, $0x10  }
0x56: {  	v0 =	vand.u32 $0xFFFF, v0;
	[tilespmem:$0x4030] =	vst v1  }
0x57: {  	[tilespmem:$0x40B0] =	vst v0  }
0x58: {  	s20 =	simm.s32 $0x900;
	v0 =	vld [tilespmem:s21+$0x0]  }
.LBB2_2:
0x59: {  	_ =	sdelay $0x1  }
0x5a: {  	p1 =	sne.s32 s20, $0xF900;
	s21 =	smov.u32 s20;
	s20 =	sadd.s32 $0x400, s20  }
0x5b: {  	_ = 	snop  }
0x5c: {  	v1 =	vshrl.u32 v0, $0x10;
	v0 =	vand.u32 $0xFFFF, v0  }
0x5d: {  	[tilespmem:$0x4040] =	vst v1  }
0x5e: {  	[tilespmem:$0x40C0] =	vst v0  }
0x5f: {  	[tilespmem:s12], [sflag:$0x1] =	stream.indirect.gather [hbm4b:s3+s10], $0x80, s11, s10, $0xb8;
	[tilespmem:$0x1CA80] =	vst v63  }
0x60: {  	_ = 	snop  }
0x61: {  	[spmem:s1] =	stream.indirect.scatter.add.f32 [tilespmem:s15], [sflag:$0x3], $0x80, s18, s10, $0xb8;
	[tilespmem:$0x1CA80] =	vst v63  }
0x62: {  	_ =	swait.ge [sflag:s8], $0x2800  }
0x63: {  	[sflag:s8] =	ssyncset.done $0x0  }
0x64: {  	[sflag:s8] =	ssyncadd.s32 $0xFFFFD800  }
0x65: {  	_ =	swait.ge [sflag:s13], $0x2800  }
0x66: {  	[sflag:s13] =	ssyncset.done $0x0  }
0x67: {  	s21 =	sshra.s32 s21, $0x2;
	[sflag:s13] =	ssyncadd.s32 $0xFFFFD800  }
0x68: {  	v0 =	vld [tilespmem:s21+$0xFFFFFF40];
	_ =	sdelay $0x4  }
0x69: {  	v1 =	vshrl.u32 v0, $0x10;
	v0 =	vand.u32 $0xFFFF, v0  }
0x6a: {  	[tilespmem:$0x4100] =	vst v1  }
0x6b: {  	[tilespmem:$0x4180] =	vst v0  }
0x6c: {  	v0 =	vld [tilespmem:s21+$0xFFFFFF50];
	_ =	sdelay $0x4  }
0x6d: {  	v1 =	vshrl.u32 v0, $0x10;
	v0 =	vand.u32 $0xFFFF, v0  }
0x6e: {  	[tilespmem:$0x4110] =	vst v1  }
0x6f: {  	[tilespmem:$0x4190] =	vst v0  }
0x70: {  	v0 =	vld [tilespmem:s21+$0xFFFFFF60];
	_ =	sdelay $0x4  }
0x71: {  	v1 =	vshrl.u32 v0, $0x10;
	v0 =	vand.u32 $0xFFFF, v0  }
0x72: {  	[tilespmem:$0x4120] =	vst v1  }
0x73: {  	[tilespmem:$0x41A0] =	vst v0  }
0x74: {  	v0 =	vld [tilespmem:s21+$0xFFFFFF70];
	_ =	sdelay $0x4  }
0x75: {  	v1 =	vshrl.u32 v0, $0x10;
	v0 =	vand.u32 $0xFFFF, v0  }
0x76: {  	[tilespmem:$0x4130] =	vst v1  }
0x77: {  	[tilespmem:$0x41B0] =	vst v0  }
0x78: {  	v0 =	vld [tilespmem:s21+$0xFFFFFF80];
	_ =	sdelay $0x4  }
0x79: {  	v1 =	vshrl.u32 v0, $0x10;
	v0 =	vand.u32 $0xFFFF, v0  }
0x7a: {  	[tilespmem:$0x4140] =	vst v1  }
0x7b: {  	[tilespmem:$0x41C0] =	vst v0  }
0x7c: {  	[tilespmem:s15], [sflag:$0x2] =	stream.indirect.gather [hbm4b:s3+s10], $0x80, s14, s10, $0xb8;
	[tilespmem:$0x1CA80] =	vst v63  }
0x7d: {  	_ = 	snop  }
0x7e: {  	[spmem:s1] =	stream.indirect.scatter.add.f32 [tilespmem:s12], [sflag:$0x3], $0x80, s16, s10, $0xb8;
	[tilespmem:$0x1CA80] =	vst v63  }
0x7f: {  	_ =	swait.ge [sflag:s8], $0x2800  }
0x80: {  	[sflag:s8] =	ssyncset.done $0x0  }
0x81: {  	[sflag:s8] =	ssyncadd.s32 $0xFFFFD800  }
0x82: {  	_ =	swait.ge [sflag:s17], $0x2800  }
0x83: {  	[sflag:s17] =	ssyncset.done $0x0  }
0x84: {  	[sflag:s17] =	ssyncadd.s32 $0xFFFFD800  }
0x85: {  	v0 =	vld [tilespmem:s21+$0xFFFFFFC0];
	_ =	sdelay $0x4  }
0x86: {  	v1 =	vshrl.u32 v0, $0x10;
	v0 =	vand.u32 $0xFFFF, v0  }
0x87: {  	[tilespmem:$0x4000] =	vst v1  }
0x88: {  	[tilespmem:$0x4080] =	vst v0  }
0x89: {  	v0 =	vld [tilespmem:s21+$0xFFFFFFD0];
	_ =	sdelay $0x4  }
0x8a: {  	v1 =	vshrl.u32 v0, $0x10;
	v0 =	vand.u32 $0xFFFF, v0  }
0x8b: {  	[tilespmem:$0x4010] =	vst v1  }
0x8c: {  	[tilespmem:$0x4090] =	vst v0  }
0x8d: {  	v0 =	vld [tilespmem:s21+$0xFFFFFFE0];
	_ =	sdelay $0x4  }
0x8e: {  	v1 =	vshrl.u32 v0, $0x10;
	v0 =	vand.u32 $0xFFFF, v0  }
0x8f: {  	[tilespmem:$0x4020] =	vst v1  }
0x90: {  	[tilespmem:$0x40A0] =	vst v0  }
0x91: {  	v0 =	vld [tilespmem:s21+$0xFFFFFFF0];
	_ =	sdelay $0x3  }
.Ltmp0:
0x92: {  	(pc) =	sbr.rel @p1 .LBB2_2-.Ltmp0, $4  }
0x93: {  	v1 =	vshrl.u32 v0, $0x10;
	v0 =	vand.u32 $0xFFFF, v0  }
0x94: {  	[tilespmem:$0x4030] =	vst v1  }
0x95: {  	[tilespmem:$0x40B0] =	vst v0  }
0x96: {  	v0 =	vld [tilespmem:s21+$0x0]  }
0x97: {  	_ =	sdelay $0x3  }
0x98: {  	v1 =	vshrl.u32 v0, $0x10  }
0x99: {  	v63 =	vand.u32 $0xFFFF, v0;
	[tilespmem:$0x4040] =	vst v1  }
0x9a: {  	[tilespmem:$0x40C0] =	vst v63  }
0x9b: {  	[tilespmem:s12], [sflag:$0x1] =	stream.indirect.gather [hbm4b:s3+s10], $0x80, s11, s10, $0xb8;
	[tilespmem:$0x1CA80] =	vst v63  }
0x9c: {  	_ = 	snop  }
0x9d: {  	[spmem:s1] =	stream.indirect.scatter.add.f32 [tilespmem:s15], [sflag:$0x3], $0x80, s18, s10, $0xb8;
	[tilespmem:$0x1CA80] =	vst v63  }
0x9e: {  	_ =	swait.ge [sflag:s8], $0x2800  }
0x9f: {  	[sflag:s8] =	ssyncset.done $0x0  }
0xa0: {  	[sflag:s8] =	ssyncadd.s32 $0xFFFFD800  }
0xa1: {  	_ =	swait.ge [sflag:s13], $0x2800  }
0xa2: {  	[sflag:s13] =	ssyncset.done $0x0  }
0xa3: {  	[sflag:s13] =	ssyncadd.s32 $0xFFFFD800  }
0xa4: {  	[spmem:s1] =	stream.indirect.scatter.add.f32 [tilespmem:s12], [sflag:$0x3], $0x80, s16, s10, $0xb8;
	[tilespmem:$0x1CA80] =	vst v63  }
0xa5: {  	_ =	swait.ge [sflag:s8], $0x2800  }
0xa6: {  	[sflag:s8] =	ssyncset.done $0x0  }
0xa7: {  	s19 =	sadd.s32 $0x1, s19;
	[sflag:s8] =	ssyncadd.s32 $0xFFFFD800  }
0xa8: {  	s20 =	simm.s32 @!p0 $0x1C03;
	p1 =	sne.s32 s19, s7;
	[bflag:$0x0] =	sbarrier.arrive $0xFFFF  }
0xa9: {  	[hbm:s6], [sflag:s20] =	dma.local @!p0 [spmem:s9], $0x27100  }
.Ltmp1:
0xaa: {  	_ = 	snop;
	(pc) =	sbr.rel @p1 .LBB2_1-.Ltmp1, $4  }
0xab: {  	s20 =	simm.s32 @!p0 $0x3  }
0xac: {  	_ =	swait.ge @!p0 [sflag:s20], $0x27100  }
0xad: {  	[sflag:s20] =	ssyncset.done @!p0 $0x0  }
0xae: {  	[sflag:s20] =	ssyncadd.s32 @!p0 $0xFFFD8F00  }
0xaf: {  	_ =	sfence.sel $0x180000  }
0xb0: {  	[bflag:$0x0] =	sbarrier.arrive $0xFFFF  }
0xb1: {  	_ =	strace $0x9000004A  }
0xb2: {  	s0 =	sadd.s32 @!p0 $0x100000, s0;
	[bflag:$0x2] =	sbarrier.arrive $0xFFFF  }
0xb3: {  	[sflag:s0] =	ssyncadd.tile.s32 @!p0 $0x1;
	_ =	shalt  }
.Lfunc_end2:
_tile_overlayer_lowered:
.L_overlay_start_2:
0xb4: {  	(tag) =	ssettag $0x2  }
0xb5: {  	s0 =	rddreg [dreg:$0x0];
	s2 =	stileid.u32  }
0xb6: {  	s1 =	rddreg [dreg:$0x1];
	p0 =	sne.s32 s2, $0x0  }
0xb7: {  	s3 =	rddreg [dreg:$0x2];
	[bflag:$0x3] =	sbarrier.arrive $0xFFFF;
	s2 =	simm.s32 @!p0 $0x1C03  }
0xb8: {  	[timem:s3], [sflag:s2] =	dma.local @!p0 [hbm:s0], s1  }
0xb9: {  	s0 =	simm.s32 @!p0 $0x3  }
0xba: {  	_ =	swait.ge @!p0 [sflag:s0], s1  }
0xbb: {  	s1 =	ssub.s32 @!p0 $0x0, s1;
	[sflag:s0] =	ssyncset.done @!p0 $0x0  }
0xbc: {  	[sflag:s0] =	ssyncadd.s32 @!p0 s1  }
0xbd: {  	[bflag:$0x3] =	sbarrier.arrive $0xFFFF  }
0xbe: {  	_ =	shalt  }

// kernel: kernel.14.cloned.1.call-start
scs
__scs_entry_jumppad:
0x0: {  	(pc) =	sbr.rel $0x88, $3  }
0x1: {  	(tag) =	ssettag $0x0;
	lr =	simm.s32 $0x1  }
0x2: {  	[smem:$0x3F9B] =	sst lr;
	_ =	strace $0xD0000000  }
0x3: {  	_ = 	snop  }
0x4: {  	_ = 	snop  }
0x5: {  	_ = 	snop  }
0x6: {  	_ = 	snop  }
0x7: {  	_ = 	snop  }
__scs_overlays_trampoline_lowered:
0x8: {  	[smem:$0x3FAA] =	sst s0  }
0x9: {  	[smem:$0x3FAB] =	sst s1  }
0xa: {  	[smem:$0x3FAC] =	sst s2  }
0xb: {  	[smem:$0x3FAD] =	sst s3  }
0xc: {  	[smem:$0x3FAE] =	sst s4  }
0xd: {  	[smem:$0x3FAF] =	sst s5  }
0xe: {  	[smem:$0x3FB0] =	sst s6  }
0xf: {  	[smem:$0x3FB1] =	sst s7  }
0x10: {  	[smem:$0x3FB2] =	sst s8  }
0x11: {  	[smem:$0x3FB3] =	sst s9;
	s0 =	simm.s32 @!p0 $0x0  }
0x12: {  	s1 =	sld [smem:$0x3F99];
	s0 =	simm.s32 @p0 $0x1  }
0x13: {  	[smem:$0x3FB4] =	sst s0;
	s0 =	simm.s32 @!p1 $0x0  }
0x14: {  	s2 =	sld [smem:$0x3F98];
	s0 =	simm.s32 @p1 $0x1  }
0x15: {  	[smem:$0x3FB5] =	sst s0;
	s0 =	simm.s32 @!p2 $0x0  }
0x16: {  	s3 =	sld [smem:$0x3FDB];
	s0 =	simm.s32 @p2 $0x1  }
0x17: {  	s4 =	simm.s32 $0x1BF5;
	[smem:$0x3FB7] =	sst s0  }
0x18: {  	s0 =	sld [smem:$0x3F9A];
	_ =	swait.ge [sflag:s4], $0x0  }
0x19: {  	s7 =	sld [smem:$0x3F9B]  }
0x1a: {  	s8 =	sadd.s32 $0xFFFFE003, lr  }
0x1b: {  	s9 =	sadd.s32 $0xFFFFFEF7, lr;
	s5 =	simm.s32 $0xFFFFFFFF;
	p2 =	slt.u32 s8, $0xFFFFF086  }
0x1c: {  	p1 =	slt.u32 s9, $0xF7A;
	s5 =	simm.s32 @!p2 $0x0  }
0x1d: {  	s5 =	simm.s32 @p1 $0x1;
	p0 =	seq.s32 s7, s2  }
0x1e: {  	s7 =	smul.u32 @!p0 $0xF7A, s2;
	p2 =	seq.s32 @!p0 s5, $0x0  }
0x1f: {  	s9 =	smul.u32 $0xF7A, s1;
	s8 =	simm.s32 @!p0 $0x1BF5;
	p2 =	por !p2, p0  }
0x20: {  	[sflag:s8] =	ssyncset.s32 @!p0 $0xFFFFF086;
	s6 =	sadd.s32 @!p0 s3, s7;
	s7 =	simm.s32 @!p0 $0x108  }
0x21: {  	s3 =	sadd.s32 s3, s9;
	s6 =	sadd.s32 @!p0 $0x88, s6;
	s7 =	simm.s32 @p2 $0x1082  }
0x22: {  	[simem:s7], [sflag:s8] =	dma.local @!p0 [hbm:s6], $0xF7A  }
0x23: {  	s9 =	sor.u32 $0xD0000000, s2;
	s6 =	simm.s32 $0x108;
	_ =	swait.ge @!p0 [sflag:s8], $0x0  }
0x24: {  	s3 =	sadd.s32 $0x88, s3;
	s6 =	simm.s32 @!p1 $0x1082;
	[sflag:s4] =	ssyncset.s32 $0xFFFFF086  }
0x25: {  	[simem:s6], [sflag:s4] =	dma.local [hbm:s3], $0xF7A  }
0x26: {  	[smem:$0x3F9B] =	sst s1;
	(tag) =	ssettag s2;
	_ =	strace s9  }
0x27: {  	s1 =	sld [smem:$0x3FAB]  }
0x28: {  	s2 =	sld [smem:$0x3FAC]  }
0x29: {  	s4 =	sld [smem:$0x3FAE]  }
0x2a: {  	p0 =	seq.s32 s5, $0x0;
	s5 =	sld [smem:$0x3FAF]  }
0x2b: {  	s6 =	sld [smem:$0x3FB0]  }
0x2c: {  	s7 =	sld [smem:$0x3FB1]  }
0x2d: {  	s3 =	simm.s32 $0x108;
	s8 =	sld [smem:$0x3FB2]  }
0x2e: {  	s3 =	simm.s32 @!p0 $0x1082;
	s9 =	sld [smem:$0x3FB3]  }
0x2f: {  	lr =	sadd.s32 s0, s3;
	s0 =	sld [smem:$0x3FAA]  }
0x30: {  	s3 =	sld [smem:$0x3FAD]  }
0x31: {  	[smem:$0x3FB6] =	sst s10  }
0x32: {  	s10 =	sld [smem:$0x3FB4];
	_ =	sdelay $0x3  }
0x33: {  	p0 =	seq.s32 s10, $0x1;
	s10 =	sld [smem:$0x3FB6];
	_ =	sdelay $0x3  }
0x34: {  	[smem:$0x3FB6] =	sst s10  }
0x35: {  	s10 =	sld [smem:$0x3FB5];
	_ =	sdelay $0x3  }
0x36: {  	p1 =	seq.s32 s10, $0x1;
	s10 =	sld [smem:$0x3FB6];
	_ =	sdelay $0x3  }
0x37: {  	[smem:$0x3FB6] =	sst s10  }
0x38: {  	s10 =	sld [smem:$0x3FB7]  }
0x39: {  	_ = 	snop;
	(pc) =	sbr.ind lr, $3  }
0x3a: {  	_ = 	snop  }
0x3b: {  	_ = 	snop  }
0x3c: {  	p2 =	seq.s32 s10, $0x1;
	s10 =	sld [smem:$0x3FB6]  }
0x3d: {  	_ =	shalt  }
0x3e: {  	_ =	shalt  }
0x3f: {  	_ =	shalt  }
0x40: {  	_ =	shalt  }
0x41: {  	_ =	shalt  }
0x42: {  	_ =	shalt  }
0x43: {  	_ =	shalt  }
0x44: {  	_ =	shalt  }
0x45: {  	_ =	shalt  }
0x46: {  	_ =	shalt  }
0x47: {  	_ =	shalt  }
0x48: {  	_ =	shalt  }
0x49: {  	_ =	shalt  }
0x4a: {  	_ =	shalt  }
0x4b: {  	_ =	shalt  }
0x4c: {  	_ =	shalt  }
0x4d: {  	_ =	shalt  }
0x4e: {  	_ =	shalt  }
0x4f: {  	_ =	shalt  }
0x50: {  	_ =	shalt  }
0x51: {  	_ =	shalt  }
0x52: {  	_ =	shalt  }
0x53: {  	_ =	shalt  }
0x54: {  	_ =	shalt  }
0x55: {  	_ =	shalt  }
0x56: {  	_ =	shalt  }
0x57: {  	_ =	shalt  }
0x58: {  	_ =	shalt  }
0x59: {  	_ =	shalt  }
0x5a: {  	_ =	shalt  }
0x5b: {  	_ =	shalt  }
0x5c: {  	_ =	shalt  }
0x5d: {  	_ =	shalt  }
0x5e: {  	_ =	shalt  }
0x5f: {  	_ =	shalt  }
0x60: {  	_ =	shalt  }
0x61: {  	_ =	shalt  }
0x62: {  	_ =	shalt  }
0x63: {  	_ =	shalt  }
0x64: {  	_ =	shalt  }
0x65: {  	_ =	shalt  }
0x66: {  	_ =	shalt  }
0x67: {  	_ =	shalt  }
0x68: {  	_ =	shalt  }
0x69: {  	_ =	shalt  }
0x6a: {  	_ =	shalt  }
0x6b: {  	_ =	shalt  }
0x6c: {  	_ =	shalt  }
0x6d: {  	_ =	shalt  }
0x6e: {  	_ =	shalt  }
0x6f: {  	_ =	shalt  }
0x70: {  	_ =	shalt  }
0x71: {  	_ =	shalt  }
0x72: {  	_ =	shalt  }
0x73: {  	_ =	shalt  }
0x74: {  	_ =	shalt  }
0x75: {  	_ =	shalt  }
0x76: {  	_ =	shalt  }
0x77: {  	_ =	shalt  }
0x78: {  	_ =	shalt  }
0x79: {  	_ =	shalt  }
0x7a: {  	_ =	shalt  }
0x7b: {  	_ =	shalt  }
0x7c: {  	_ =	shalt  }
0x7d: {  	_ =	shalt  }
0x7e: {  	_ =	shalt  }
0x7f: {  	_ =	shalt  }
0x80: {  	_ =	shalt  }
0x81: {  	_ =	shalt  }
0x82: {  	_ =	shalt  }
0x83: {  	_ =	shalt  }
0x84: {  	_ =	shalt  }
0x85: {  	_ =	shalt  }
0x86: {  	_ =	shalt  }
0x87: {  	_ =	shalt  }
.Lfunc_end0:
.L_simem_size_0:
called_computation.2_lowered:
.L_overlay_start_0:
0x88: {  	s2 =	sld [smem:$0x3FD9]  }
0x89: {  	s3 =	sld [smem:$0x3FFE];
	_ =	sdelay $0x1  }
0x8a: {  	s1 =	srdreg.scid  }
0x8b: {  	s0 =	sand.u32 $0x1, s1  }
0x8c: {  	s16 =	sshll.u32 s0, $0xA;
	s2 =	sadd.s32 s3, s2  }
0x8d: {  	s2 =	sadd.s32 s2, s16  }
0x8e: {  	[smem:$0x3FC2] =	sst s2  }
0x8f: {  	_ = 	snop  }
0x90: {  	(tm) =	ssettm $0x1  }
0x91: {  	s17 =	sld [smem:$0x3FFB];
	_ =	sdelay $0x3  }
0x92: {  	_ =	strace s17  }
0x93: {  	s2 =	sld [smem:$0x3FFC];
	_ =	sdelay $0x3  }
0x94: {  	_ =	strace s2  }
0x95: {  	s2 =	sld [smem:$0x3FFD];
	_ =	sdelay $0x3  }
0x96: {  	_ =	strace s2  }
0x97: {  	_ =	strace $0x8FFFFFFF  }
0x98: {  	s18 =	sld [smem:$0x3FDB];
	_ =	sdelay $0x1  }
0x99: {  	s19 =	simm.s32 $_scs_section_size  }
0x9a: {  	s4 =	simm.s32 $_size__tile_overlayer_lowered;
	s5 =	simm.s32 $_tile_overlayer_lowered  }
0x9b: {  	s22 =	simm.s32 $0x1BFF;
	s21 =	sshll.u32 s5, $0x1;
	s2 =	sadd.s32 s19, s18  }
0x9c: {  	s6 =	simm.s32 $0x0;
	s20 =	sshll.u32 s4, $0x1;
	s4 =	sadd.s32 s21, s2  }
0x9d: {  	[timem:s6], [sflag:s22] =	dma.local [hbm:s4], s20  }
0x9e: {  	_ =	swait.ge [sflag:s22], s20  }
0x9f: {  	s3 =	ssub.s32 $0x0, s20;
	[sflag:s22] =	ssyncset.done $0x0  }
0xa0: {  	[sflag:s22] =	ssyncadd.s32 s3;
	_ =	sdelay $0x1  }
0xa1: {  	s23 =	simm.s32 $0x1B8B  }
0xa2: {  	_ =	swait.ge [sflag:s23], $0x1  }
0xa3: {  	[sflag:s23] =	ssyncset.done $0x0  }
0xa4: {  	s25 =	simm.s32 $0x1B8E;
	s24 =	sld [smem:$0x3FFE];
	[sflag:s23] =	ssyncadd.s32 $0xFFFFFFFF  }
0xa5: {  	s26 =	simm.s32 $execute0_lowered;
	[smem:$0x3FD2] =	sst s25  }
0xa6: {  	s4 =	sshll.u32 s26, $0x1;
	_ =	strace $0x8000004C;
	[dreg:$0x1] =	wrdreg $0xFFFFFFFF  }
0xa7: {  	s28 =	simm.s32 $_size_execute0_lowered;
	s2 =	sadd.s32 s2, s4;
	[dreg:$0x0] =	wrdreg $0x0  }
0xa8: {  	s4 =	sshll.u32 s28, $0x1;
	[dreg:$0x2] =	wrdreg s2  }
0xa9: {  	[dreg:$0x3] =	wrdreg s4  }
0xaa: {  	[dreg:$0x4] =	wrdreg $0xC0  }
0xab: {  	_ =	task [dreg:s6], $0x5FFFF  }
0xac: {  	[dreg:$0x1] =	wrdreg $0xFFFFFFFF  }
0xad: {  	[dreg:$0x0] =	wrdreg $0x60  }
0xae: {  	[dreg:$0x2] =	wrdreg s24  }
0xaf: {  	[dreg:$0x3] =	wrdreg $0x92000  }
0xb0: {  	[dreg:$0x4] =	wrdreg $0x9  }
0xb1: {  	_ =	task.clear_ibuf [dreg:s6], $0x5FFFF;
	_ =	strace $0x9000004C  }
0xb2: {  	s29 =	simm.s32 $0x9;
	_ =	strace $0x8000004E  }
0xb3: {  	_ =	swait.ge [sflag:s29], $0x1  }
0xb4: {  	[sflag:s29] =	ssyncadd.s32 $0xFFFFFFFF  }
0xb5: {  	_ =	strace $0x9000004E  }
0xb6: {  	_ =	sfence  }
0xb7: {  	s30 =	sld [smem:$0x0];
	_ =	sdelay $0x2  }
0xb8: {  	s31 =	sshll.u32 s1, $0xD;
	s1 =	sshrl.u32 s1, $0x2  }
0xb9: {  	s3 =	sand.u32 $0x4000, s31;
	s1 =	sadd.s32 s1, s30  }
0xba: {  	s0 =	sor.u32 s3, s0;
	s1 =	sshll.u32 s1, $0x11  }
0xbb: {  	s0 =	sor.u32 s1, s0  }
0xbc: {  	s0 =	sadd.s32 $0x8F2B, s0  }
0xbd: {  	[sflag:s0] =	ssyncadd.remote.s32 $0x1  }
0xbe: {  	_ =	sfence.sel $0xFFFF  }
0xbf: {  	[dreg:$0x0] =	wrdreg $0xFFFFFFFF;
	(pc) =	sbr.abs _section_cstart, $3  }
0xc0: {  	[dreg:$0x1] =	wrdreg $0xFFFFFFFF  }
0xc1: {  	_ =	task.clear_ibuf [dreg:s6], $0x2FFFF;
	_ =	strace $0x9FFFFFFF  }
0xc2: {  	(tm) =	ssettm $0x7FFFFFFF  }
0xc3: {  	_ =	shalt  }
tec
execute0_lowered:
.L_overlay_start_1:
0x0: {  	(tag) =	ssettag $0x1  }
0x1: {  	s5 =	rddreg [dreg:$0x0]  }
0x2: {  	s1 =	rddreg [dreg:$0x1]  }
0x3: {  	s0 =	rddreg [dreg:$0x2]  }
0x4: {  	s2 =	simm.s32 $0x0;
	s8 =	stileid.u32;
	s6 =	srdreg.scid  }
0x5: {  	s12 =	simm.s32 $0x4200;
	s13 =	simm.s32 $0x1;
	s14 =	simm.s32 $0x4100  }
0x6: {  	s15 =	simm.s32 $0x6A00;
	s16 =	simm.s32 $0x4080;
	s17 =	simm.s32 $0x2  }
0x7: {  	s18 =	simm.s32 $0x4180;
	s19 =	simm.s32 $0x0;
	[smem:$0x7FF] =	sst s2  }
0x8: {  	s4 =	sshll.u32 s8, $0xB;
	s3 =	sadd.s32 $0x2BE00, s5;
	s31 =	sand.u32 $0x1, s6  }
0x9: {  	p0 =	sne.s32 s8, $0x0;
	s8 =	simm.s32 $0x3;
	_ =	strace $0x8000004D  }
0xa: {  	s7 =	sadd.s32 s4, s5;
	s6 =	smul.u32 $0x27100, s31;
	s9 =	ssub.s32 $0x2, s31  }
0xb: {  	s10 =	sshll.u32 s31, $0xF;
	s4 =	sadd.s32 $0x53000, s5;
	s11 =	sshrl.u32 s9, $0x1  }
0xc: {  	s7 =	sadd.s32 s10, s7;
	s10 =	simm.s32 $0x50;
	s6 =	sadd.s32 s6, s5  }
0xd: {  	s9 =	ssub.s32 s9, s11;
	s5 =	sadd.s32 $0x1BE00, s7;
	s11 =	simm.s32 $0x4000  }
0xe: {  	s6 =	sadd.s32 $0x7A200, s6;
	s7 =	smax.u32 s9, $0x1;
	s9 =	sshrl.u32 @!p0 s1, $0x3  }
.LBB2_1:
0xf: {  	[tilespmem:s2], [sflag:$0x3] =	stream.linear.gather [hbm4b:s5+s2], $0x3E80, $0x38;
	[tilespmem:$0x1CA80] =	vst v63  }
0x10: {  	_ =	swait.ge [sflag:s8], $0x3E80  }
0x11: {  	[sflag:s8] =	ssyncset.done $0x0  }
0x12: {  	s20 =	simm.s32 @!p0 $0x1C03;
	[sflag:s8] =	ssyncadd.s32 $0xFFFFC180  }
0x13: {  	[spmem:s9], [sflag:s20] =	dma.local @!p0 [hbm:s4], $0x27100  }
0x14: {  	s20 =	simm.s32 @!p0 $0x3  }
0x15: {  	_ =	swait.ge @!p0 [sflag:s20], $0x27100  }
0x16: {  	[sflag:s20] =	ssyncset.done @!p0 $0x0  }
0x17: {  	[sflag:s20] =	ssyncadd.s32 @!p0 $0xFFFD8F00  }
0x18: {  	[bflag:$0x0] =	sbarrier.arrive $0xFFFF  }
0x19: {  	v0 =	vld [tilespmem:$0x0];
	_ =	sdelay $0x1  }
0x1a: {  	v1 =	vld [tilespmem:$0x10];
	_ =	sdelay $0x1  }
0x1b: {  	v2 =	vld [tilespmem:$0x20]  }
0x1c: {  	v3 =	vshrl.u32 v0, $0x10  }
0x1d: {  	v0 =	vand.u32 $0xFFFF, v0;
	[tilespmem:$0x4000] =	vst v3;
	v3 =	vld [tilespmem:$0x30]  }
0x1e: {  	[tilespmem:$0x4080] =	vst v0;
	v0 =	vshrl.u32 v1, $0x10  }
0x1f: {  	[tilespmem:$0x4010] =	vst v0;
	v0 =	vand.u32 $0xFFFF, v1;
	v1 =	vld [tilespmem:$0x40]  }
0x20: {  	[tilespmem:$0x4090] =	vst v0;
	v0 =	vshrl.u32 v2, $0x10  }
0x21: {  	[tilespmem:$0x4020] =	vst v0;
	v0 =	vand.u32 $0xFFFF, v2  }
0x22: {  	[tilespmem:$0x40A0] =	vst v0;
	v0 =	vshrl.u32 v3, $0x10  }
0x23: {  	[tilespmem:$0x4030] =	vst v0;
	v0 =	vand.u32 $0xFFFF, v3  }
0x24: {  	[tilespmem:$0x40B0] =	vst v0;
	v0 =	vshrl.u32 v1, $0x10  }
0x25: {  	[tilespmem:$0x4040] =	vst v0;
	v0 =	vand.u32 $0xFFFF, v1  }
0x26: {  	[tilespmem:$0x40C0] =	vst v0  }
0x27: {  	[tilespmem:s12], [sflag:$0x1] =	stream.indirect.gather [hbm4b:s3+s10], $0x80, s11, s10, $0xb8;
	[tilespmem:$0x1CA80] =	vst v63  }
0x28: {  	_ =	swait.ge [sflag:s13], $0x2800  }
0x29: {  	[sflag:s13] =	ssyncset.done $0x0  }
0x2a: {  	s21 =	simm.s32 $0x140;
	[sflag:s13] =	ssyncadd.s32 $0xFFFFD800  }
0x2b: {  	v0 =	vld [tilespmem:s21+$0xFFFFFF40];
	_ =	sdelay $0x4  }
0x2c: {  	v1 =	vshrl.u32 v0, $0x10  }
0x2d: {  	v0 =	vand.u32 $0xFFFF, v0;
	[tilespmem:$0x4100] =	vst v1  }
0x2e: {  	[tilespmem:$0x4180] =	vst v0  }
0x2f: {  	v0 =	vld [tilespmem:s21+$0xFFFFFF50];
	_ =	sdelay $0x4  }
0x30: {  	v1 =	vshrl.u32 v0, $0x10  }
0x31: {  	v0 =	vand.u32 $0xFFFF, v0;
	[tilespmem:$0x4110] =	vst v1  }
0x32: {  	[tilespmem:$0x4190] =	vst v0  }
0x33: {  	v0 =	vld [tilespmem:s21+$0xFFFFFF60];
	_ =	sdelay $0x4  }
0x34: {  	v1 =	vshrl.u32 v0, $0x10  }
0x35: {  	v0 =	vand.u32 $0xFFFF, v0;
	[tilespmem:$0x4120] =	vst v1  }
0x36: {  	[tilespmem:$0x41A0] =	vst v0  }
0x37: {  	v0 =	vld [tilespmem:s21+$0xFFFFFF70];
	_ =	sdelay $0x4  }
0x38: {  	v1 =	vshrl.u32 v0, $0x10  }
0x39: {  	v0 =	vand.u32 $0xFFFF, v0;
	[tilespmem:$0x4130] =	vst v1  }
0x3a: {  	[tilespmem:$0x41B0] =	vst v0  }
0x3b: {  	v0 =	vld [tilespmem:s21+$0xFFFFFF80];
	_ =	sdelay $0x4  }
0x3c: {  	v1 =	vshrl.u32 v0, $0x10  }
0x3d: {  	v0 =	vand.u32 $0xFFFF, v0;
	[tilespmem:$0x4140] =	vst v1  }
0x3e: {  	[tilespmem:$0x41C0] =	vst v0  }
0x3f: {  	[tilespmem:s15], [sflag:$0x2] =	stream.indirect.gather [hbm4b:s3+s10], $0x80, s14, s10, $0xb8;
	[tilespmem:$0x1CA80] =	vst v63  }
0x40: {  	_ = 	snop  }
0x41: {  	[spmem:s1] =	stream.indirect.scatter.add.f32 [tilespmem:s12], [sflag:$0x3], $0x80, s16, s10, $0xb8;
	[tilespmem:$0x1CA80] =	vst v63  }
0x42: {  	_ =	swait.ge [sflag:s8], $0x2800  }
0x43: {  	[sflag:s8] =	ssyncset.done $0x0  }
0x44: {  	[sflag:s8] =	ssyncadd.s32 $0xFFFFD800  }
0x45: {  	_ =	swait.ge [sflag:s17], $0x2800  }
0x46: {  	[sflag:s17] =	ssyncset.done $0x0  }
0x47: {  	[sflag:s17] =	ssyncadd.s32 $0xFFFFD800  }
0x48: {  	v0 =	vld [tilespmem:s21+$0xFFFFFFC0];
	_ =	sdelay $0x4  }
0x49: {  	v1 =	vshrl.u32 v0, $0x10  }
0x4a: {  	v0 =	vand.u32 $0xFFFF, v0;
	[tilespmem:$0x4000] =	vst v1  }
0x4b: {  	[tilespmem:$0x4080] =	vst v0  }
0x4c: {  	v0 =	vld [tilespmem:s21+$0xFFFFFFD0];
	_ =	sdelay $0x4  }
0x4d: {  	v1 =	vshrl.u32 v0, $0x10  }
0x4e: {  	v0 =	vand.u32 $0xFFFF, v0;
	[tilespmem:$0x4010] =	vst v1  }
0x4f: {  	[tilespmem:$0x4090] =	vst v0  }
0x50: {  	v0 =	vld [tilespmem:s21+$0xFFFFFFE0];
	_ =	sdelay $0x4  }
0x51: {  	v1 =	vshrl.u32 v0, $0x10  }
0x52: {  	v0 =	vand.u32 $0xFFFF, v0;
	[tilespmem:$0x4020] =	vst v1  }
0x53: {  	[tilespmem:$0x40A0] =	vst v0  }
0x54: {  	v0 =	vld [tilespmem:s21+$0xFFFFFFF0];
	_ =	sdelay $0x4  }
0x55: {  	v1 =	vshrl.u32 v0, $0x10  }
0x56: {  	v0 =	vand.u32 $0xFFFF, v0;
	[tilespmem:$0x4030] =	vst v1  }
0x57: {  	[tilespmem:$0x40B0] =	vst v0  }
0x58: {  	s20 =	simm.s32 $0x900;
	v0 =	vld [tilespmem:s21+$0x0]  }
.LBB2_2:
0x59: {  	_ =	sdelay $0x1  }
0x5a: {  	p1 =	sne.s32 s20, $0xF900;
	s21 =	smov.u32 s20;
	s20 =	sadd.s32 $0x400, s20  }
0x5b: {  	_ = 	snop  }
0x5c: {  	v1 =	vshrl.u32 v0, $0x10;
	v0 =	vand.u32 $0xFFFF, v0  }
0x5d: {  	[tilespmem:$0x4040] =	vst v1  }
0x5e: {  	[tilespmem:$0x40C0] =	vst v0  }
0x5f: {  	[tilespmem:s12], [sflag:$0x1] =	stream.indirect.gather [hbm4b:s3+s10], $0x80, s11, s10, $0xb8;
	[tilespmem:$0x1CA80] =	vst v63  }
0x60: {  	_ = 	snop  }
0x61: {  	[spmem:s1] =	stream.indirect.scatter.add.f32 [tilespmem:s15], [sflag:$0x3], $0x80, s18, s10, $0xb8;
	[tilespmem:$0x1CA80] =	vst v63  }
0x62: {  	_ =	swait.ge [sflag:s8], $0x2800  }
0x63: {  	[sflag:s8] =	ssyncset.done $0x0  }
0x64: {  	[sflag:s8] =	ssyncadd.s32 $0xFFFFD800  }
0x65: {  	_ =	swait.ge [sflag:s13], $0x2800  }
0x66: {  	[sflag:s13] =	ssyncset.done $0x0  }
0x67: {  	s21 =	sshra.s32 s21, $0x2;
	[sflag:s13] =	ssyncadd.s32 $0xFFFFD800  }
0x68: {  	v0 =	vld [tilespmem:s21+$0xFFFFFF40];
	_ =	sdelay $0x4  }
0x69: {  	v1 =	vshrl.u32 v0, $0x10;
	v0 =	vand.u32 $0xFFFF, v0  }
0x6a: {  	[tilespmem:$0x4100] =	vst v1  }
0x6b: {  	[tilespmem:$0x4180] =	vst v0  }
0x6c: {  	v0 =	vld [tilespmem:s21+$0xFFFFFF50];
	_ =	sdelay $0x4  }
0x6d: {  	v1 =	vshrl.u32 v0, $0x10;
	v0 =	vand.u32 $0xFFFF, v0  }
0x6e: {  	[tilespmem:$0x4110] =	vst v1  }
0x6f: {  	[tilespmem:$0x4190] =	vst v0  }
0x70: {  	v0 =	vld [tilespmem:s21+$0xFFFFFF60];
	_ =	sdelay $0x4  }
0x71: {  	v1 =	vshrl.u32 v0, $0x10;
	v0 =	vand.u32 $0xFFFF, v0  }
0x72: {  	[tilespmem:$0x4120] =	vst v1  }
0x73: {  	[tilespmem:$0x41A0] =	vst v0  }
0x74: {  	v0 =	vld [tilespmem:s21+$0xFFFFFF70];
	_ =	sdelay $0x4  }
0x75: {  	v1 =	vshrl.u32 v0, $0x10;
	v0 =	vand.u32 $0xFFFF, v0  }
0x76: {  	[tilespmem:$0x4130] =	vst v1  }
0x77: {  	[tilespmem:$0x41B0] =	vst v0  }
0x78: {  	v0 =	vld [tilespmem:s21+$0xFFFFFF80];
	_ =	sdelay $0x4  }
0x79: {  	v1 =	vshrl.u32 v0, $0x10;
	v0 =	vand.u32 $0xFFFF, v0  }
0x7a: {  	[tilespmem:$0x4140] =	vst v1  }
0x7b: {  	[tilespmem:$0x41C0] =	vst v0  }
0x7c: {  	[tilespmem:s15], [sflag:$0x2] =	stream.indirect.gather [hbm4b:s3+s10], $0x80, s14, s10, $0xb8;
	[tilespmem:$0x1CA80] =	vst v63  }
0x7d: {  	_ = 	snop  }
0x7e: {  	[spmem:s1] =	stream.indirect.scatter.add.f32 [tilespmem:s12], [sflag:$0x3], $0x80, s16, s10, $0xb8;
	[tilespmem:$0x1CA80] =	vst v63  }
0x7f: {  	_ =	swait.ge [sflag:s8], $0x2800  }
0x80: {  	[sflag:s8] =	ssyncset.done $0x0  }
0x81: {  	[sflag:s8] =	ssyncadd.s32 $0xFFFFD800  }
0x82: {  	_ =	swait.ge [sflag:s17], $0x2800  }
0x83: {  	[sflag:s17] =	ssyncset.done $0x0  }
0x84: {  	[sflag:s17] =	ssyncadd.s32 $0xFFFFD800  }
0x85: {  	v0 =	vld [tilespmem:s21+$0xFFFFFFC0];
	_ =	sdelay $0x4  }
0x86: {  	v1 =	vshrl.u32 v0, $0x10;
	v0 =	vand.u32 $0xFFFF, v0  }
0x87: {  	[tilespmem:$0x4000] =	vst v1  }
0x88: {  	[tilespmem:$0x4080] =	vst v0  }
0x89: {  	v0 =	vld [tilespmem:s21+$0xFFFFFFD0];
	_ =	sdelay $0x4  }
0x8a: {  	v1 =	vshrl.u32 v0, $0x10;
	v0 =	vand.u32 $0xFFFF, v0  }
0x8b: {  	[tilespmem:$0x4010] =	vst v1  }
0x8c: {  	[tilespmem:$0x4090] =	vst v0  }
0x8d: {  	v0 =	vld [tilespmem:s21+$0xFFFFFFE0];
	_ =	sdelay $0x4  }
0x8e: {  	v1 =	vshrl.u32 v0, $0x10;
	v0 =	vand.u32 $0xFFFF, v0  }
0x8f: {  	[tilespmem:$0x4020] =	vst v1  }
0x90: {  	[tilespmem:$0x40A0] =	vst v0  }
0x91: {  	v0 =	vld [tilespmem:s21+$0xFFFFFFF0];
	_ =	sdelay $0x3  }
.Ltmp0:
0x92: {  	(pc) =	sbr.rel @p1 .LBB2_2-.Ltmp0, $4  }
0x93: {  	v1 =	vshrl.u32 v0, $0x10;
	v0 =	vand.u32 $0xFFFF, v0  }
0x94: {  	[tilespmem:$0x4030] =	vst v1  }
0x95: {  	[tilespmem:$0x40B0] =	vst v0  }
0x96: {  	v0 =	vld [tilespmem:s21+$0x0]  }
0x97: {  	_ =	sdelay $0x3  }
0x98: {  	v1 =	vshrl.u32 v0, $0x10  }
0x99: {  	v63 =	vand.u32 $0xFFFF, v0;
	[tilespmem:$0x4040] =	vst v1  }
0x9a: {  	[tilespmem:$0x40C0] =	vst v63  }
0x9b: {  	[tilespmem:s12], [sflag:$0x1] =	stream.indirect.gather [hbm4b:s3+s10], $0x80, s11, s10, $0xb8;
	[tilespmem:$0x1CA80] =	vst v63  }
0x9c: {  	_ = 	snop  }
0x9d: {  	[spmem:s1] =	stream.indirect.scatter.add.f32 [tilespmem:s15], [sflag:$0x3], $0x80, s18, s10, $0xb8;
	[tilespmem:$0x1CA80] =	vst v63  }
0x9e: {  	_ =	swait.ge [sflag:s8], $0x2800  }
0x9f: {  	[sflag:s8] =	ssyncset.done $0x0  }
0xa0: {  	[sflag:s8] =	ssyncadd.s32 $0xFFFFD800  }
0xa1: {  	_ =	swait.ge [sflag:s13], $0x2800  }
0xa2: {  	[sflag:s13] =	ssyncset.done $0x0  }
0xa3: {  	[sflag:s13] =	ssyncadd.s32 $0xFFFFD800  }
0xa4: {  	[spmem:s1] =	stream.indirect.scatter.add.f32 [tilespmem:s12], [sflag:$0x3], $0x80, s16, s10, $0xb8;
	[tilespmem:$0x1CA80] =	vst v63  }
0xa5: {  	_ =	swait.ge [sflag:s8], $0x2800  }
0xa6: {  	[sflag:s8] =	ssyncset.done $0x0  }
0xa7: {  	s19 =	sadd.s32 $0x1, s19;
	[sflag:s8] =	ssyncadd.s32 $0xFFFFD800  }
0xa8: {  	s20 =	simm.s32 @!p0 $0x1C03;
	p1 =	sne.s32 s19, s7;
	[bflag:$0x0] =	sbarrier.arrive $0xFFFF  }
0xa9: {  	[hbm:s6], [sflag:s20] =	dma.local @!p0 [spmem:s9], $0x27100  }
.Ltmp1:
0xaa: {  	_ = 	snop;
	(pc) =	sbr.rel @p1 .LBB2_1-.Ltmp1, $4  }
0xab: {  	s20 =	simm.s32 @!p0 $0x3  }
0xac: {  	_ =	swait.ge @!p0 [sflag:s20], $0x27100  }
0xad: {  	[sflag:s20] =	ssyncset.done @!p0 $0x0  }
0xae: {  	[sflag:s20] =	ssyncadd.s32 @!p0 $0xFFFD8F00  }
0xaf: {  	_ =	sfence.sel $0x180000  }
0xb0: {  	[bflag:$0x0] =	sbarrier.arrive $0xFFFF  }
0xb1: {  	_ =	strace $0x9000004D  }
0xb2: {  	s0 =	sadd.s32 @!p0 $0x100000, s0;
	[bflag:$0x2] =	sbarrier.arrive $0xFFFF  }
0xb3: {  	[sflag:s0] =	ssyncadd.tile.s32 @!p0 $0x1;
	_ =	shalt  }
.Lfunc_end2:
_tile_overlayer_lowered:
.L_overlay_start_2:
0xb4: {  	(tag) =	ssettag $0x2  }
0xb5: {  	s0 =	rddreg [dreg:$0x0];
	s2 =	stileid.u32  }
0xb6: {  	s1 =	rddreg [dreg:$0x1];
	p0 =	sne.s32 s2, $0x0  }
0xb7: {  	s3 =	rddreg [dreg:$0x2];
	[bflag:$0x3] =	sbarrier.arrive $0xFFFF;
	s2 =	simm.s32 @!p0 $0x1C03  }
0xb8: {  	[timem:s3], [sflag:s2] =	dma.local @!p0 [hbm:s0], s1  }
0xb9: {  	s0 =	simm.s32 @!p0 $0x3  }
0xba: {  	_ =	swait.ge @!p0 [sflag:s0], s1  }
0xbb: {  	s1 =	ssub.s32 @!p0 $0x0, s1;
	[sflag:s0] =	ssyncset.done @!p0 $0x0  }
0xbc: {  	[sflag:s0] =	ssyncadd.s32 @!p0 s1  }
0xbd: {  	[bflag:$0x3] =	sbarrier.arrive $0xFFFF  }
0xbe: {  	_ =	shalt  }

// kernel: kernel.8.cloned.1.call-start
scs
__scs_entry_jumppad:
0x0: {  	(pc) =	sbr.rel $0x88, $3  }
0x1: {  	(tag) =	ssettag $0x0;
	lr =	simm.s32 $0x1  }
0x2: {  	[smem:$0x3F9B] =	sst lr;
	_ =	strace $0xD0000000  }
0x3: {  	_ = 	snop  }
0x4: {  	_ = 	snop  }
0x5: {  	_ = 	snop  }
0x6: {  	_ = 	snop  }
0x7: {  	_ = 	snop  }
__scs_overlays_trampoline_lowered:
0x8: {  	[smem:$0x3FAA] =	sst s0  }
0x9: {  	[smem:$0x3FAB] =	sst s1  }
0xa: {  	[smem:$0x3FAC] =	sst s2  }
0xb: {  	[smem:$0x3FAD] =	sst s3  }
0xc: {  	[smem:$0x3FAE] =	sst s4  }
0xd: {  	[smem:$0x3FAF] =	sst s5  }
0xe: {  	[smem:$0x3FB0] =	sst s6  }
0xf: {  	[smem:$0x3FB1] =	sst s7  }
0x10: {  	[smem:$0x3FB2] =	sst s8  }
0x11: {  	[smem:$0x3FB3] =	sst s9;
	s0 =	simm.s32 @!p0 $0x0  }
0x12: {  	s1 =	sld [smem:$0x3F99];
	s0 =	simm.s32 @p0 $0x1  }
0x13: {  	[smem:$0x3FB4] =	sst s0;
	s0 =	simm.s32 @!p1 $0x0  }
0x14: {  	s2 =	sld [smem:$0x3F98];
	s0 =	simm.s32 @p1 $0x1  }
0x15: {  	[smem:$0x3FB5] =	sst s0;
	s0 =	simm.s32 @!p2 $0x0  }
0x16: {  	s3 =	sld [smem:$0x3FDB];
	s0 =	simm.s32 @p2 $0x1  }
0x17: {  	s4 =	simm.s32 $0x1BF5;
	[smem:$0x3FB7] =	sst s0  }
0x18: {  	s0 =	sld [smem:$0x3F9A];
	_ =	swait.ge [sflag:s4], $0x0  }
0x19: {  	s7 =	sld [smem:$0x3F9B]  }
0x1a: {  	s8 =	sadd.s32 $0xFFFFE003, lr  }
0x1b: {  	s9 =	sadd.s32 $0xFFFFFEF7, lr;
	s5 =	simm.s32 $0xFFFFFFFF;
	p2 =	slt.u32 s8, $0xFFFFF086  }
0x1c: {  	p1 =	slt.u32 s9, $0xF7A;
	s5 =	simm.s32 @!p2 $0x0  }
0x1d: {  	s5 =	simm.s32 @p1 $0x1;
	p0 =	seq.s32 s7, s2  }
0x1e: {  	s7 =	smul.u32 @!p0 $0xF7A, s2;
	p2 =	seq.s32 @!p0 s5, $0x0  }
0x1f: {  	s9 =	smul.u32 $0xF7A, s1;
	s8 =	simm.s32 @!p0 $0x1BF5;
	p2 =	por !p2, p0  }
0x20: {  	[sflag:s8] =	ssyncset.s32 @!p0 $0xFFFFF086;
	s6 =	sadd.s32 @!p0 s3, s7;
	s7 =	simm.s32 @!p0 $0x108  }
0x21: {  	s3 =	sadd.s32 s3, s9;
	s6 =	sadd.s32 @!p0 $0x88, s6;
	s7 =	simm.s32 @p2 $0x1082  }
0x22: {  	[simem:s7], [sflag:s8] =	dma.local @!p0 [hbm:s6], $0xF7A  }
0x23: {  	s9 =	sor.u32 $0xD0000000, s2;
	s6 =	simm.s32 $0x108;
	_ =	swait.ge @!p0 [sflag:s8], $0x0  }
0x24: {  	s3 =	sadd.s32 $0x88, s3;
	s6 =	simm.s32 @!p1 $0x1082;
	[sflag:s4] =	ssyncset.s32 $0xFFFFF086  }
0x25: {  	[simem:s6], [sflag:s4] =	dma.local [hbm:s3], $0xF7A  }
0x26: {  	[smem:$0x3F9B] =	sst s1;
	(tag) =	ssettag s2;
	_ =	strace s9  }
0x27: {  	s1 =	sld [smem:$0x3FAB]  }
0x28: {  	s2 =	sld [smem:$0x3FAC]  }
0x29: {  	s4 =	sld [smem:$0x3FAE]  }
0x2a: {  	p0 =	seq.s32 s5, $0x0;
	s5 =	sld [smem:$0x3FAF]  }
0x2b: {  	s6 =	sld [smem:$0x3FB0]  }
0x2c: {  	s7 =	sld [smem:$0x3FB1]  }
0x2d: {  	s3 =	simm.s32 $0x108;
	s8 =	sld [smem:$0x3FB2]  }
0x2e: {  	s3 =	simm.s32 @!p0 $0x1082;
	s9 =	sld [smem:$0x3FB3]  }
0x2f: {  	lr =	sadd.s32 s0, s3;
	s0 =	sld [smem:$0x3FAA]  }
0x30: {  	s3 =	sld [smem:$0x3FAD]  }
0x31: {  	[smem:$0x3FB6] =	sst s10  }
0x32: {  	s10 =	sld [smem:$0x3FB4];
	_ =	sdelay $0x3  }
0x33: {  	p0 =	seq.s32 s10, $0x1;
	s10 =	sld [smem:$0x3FB6];
	_ =	sdelay $0x3  }
0x34: {  	[smem:$0x3FB6] =	sst s10  }
0x35: {  	s10 =	sld [smem:$0x3FB5];
	_ =	sdelay $0x3  }
0x36: {  	p1 =	seq.s32 s10, $0x1;
	s10 =	sld [smem:$0x3FB6];
	_ =	sdelay $0x3  }
0x37: {  	[smem:$0x3FB6] =	sst s10  }
0x38: {  	s10 =	sld [smem:$0x3FB7]  }
0x39: {  	_ = 	snop;
	(pc) =	sbr.ind lr, $3  }
0x3a: {  	_ = 	snop  }
0x3b: {  	_ = 	snop  }
0x3c: {  	p2 =	seq.s32 s10, $0x1;
	s10 =	sld [smem:$0x3FB6]  }
0x3d: {  	_ =	shalt  }
0x3e: {  	_ =	shalt  }
0x3f: {  	_ =	shalt  }
0x40: {  	_ =	shalt  }
0x41: {  	_ =	shalt  }
0x42: {  	_ =	shalt  }
0x43: {  	_ =	shalt  }
0x44: {  	_ =	shalt  }
0x45: {  	_ =	shalt  }
0x46: {  	_ =	shalt  }
0x47: {  	_ =	shalt  }
0x48: {  	_ =	shalt  }
0x49: {  	_ =	shalt  }
0x4a: {  	_ =	shalt  }
0x4b: {  	_ =	shalt  }
0x4c: {  	_ =	shalt  }
0x4d: {  	_ =	shalt  }
0x4e: {  	_ =	shalt  }
0x4f: {  	_ =	shalt  }
0x50: {  	_ =	shalt  }
0x51: {  	_ =	shalt  }
0x52: {  	_ =	shalt  }
0x53: {  	_ =	shalt  }
0x54: {  	_ =	shalt  }
0x55: {  	_ =	shalt  }
0x56: {  	_ =	shalt  }
0x57: {  	_ =	shalt  }
0x58: {  	_ =	shalt  }
0x59: {  	_ =	shalt  }
0x5a: {  	_ =	shalt  }
0x5b: {  	_ =	shalt  }
0x5c: {  	_ =	shalt  }
0x5d: {  	_ =	shalt  }
0x5e: {  	_ =	shalt  }
0x5f: {  	_ =	shalt  }
0x60: {  	_ =	shalt  }
0x61: {  	_ =	shalt  }
0x62: {  	_ =	shalt  }
0x63: {  	_ =	shalt  }
0x64: {  	_ =	shalt  }
0x65: {  	_ =	shalt  }
0x66: {  	_ =	shalt  }
0x67: {  	_ =	shalt  }
0x68: {  	_ =	shalt  }
0x69: {  	_ =	shalt  }
0x6a: {  	_ =	shalt  }
0x6b: {  	_ =	shalt  }
0x6c: {  	_ =	shalt  }
0x6d: {  	_ =	shalt  }
0x6e: {  	_ =	shalt  }
0x6f: {  	_ =	shalt  }
0x70: {  	_ =	shalt  }
0x71: {  	_ =	shalt  }
0x72: {  	_ =	shalt  }
0x73: {  	_ =	shalt  }
0x74: {  	_ =	shalt  }
0x75: {  	_ =	shalt  }
0x76: {  	_ =	shalt  }
0x77: {  	_ =	shalt  }
0x78: {  	_ =	shalt  }
0x79: {  	_ =	shalt  }
0x7a: {  	_ =	shalt  }
0x7b: {  	_ =	shalt  }
0x7c: {  	_ =	shalt  }
0x7d: {  	_ =	shalt  }
0x7e: {  	_ =	shalt  }
0x7f: {  	_ =	shalt  }
0x80: {  	_ =	shalt  }
0x81: {  	_ =	shalt  }
0x82: {  	_ =	shalt  }
0x83: {  	_ =	shalt  }
0x84: {  	_ =	shalt  }
0x85: {  	_ =	shalt  }
0x86: {  	_ =	shalt  }
0x87: {  	_ =	shalt  }
.Lfunc_end0:
.L_simem_size_0:
called_computation_lowered:
.L_overlay_start_0:
0x88: {  	s2 =	sld [smem:$0x3FD9]  }
0x89: {  	s3 =	sld [smem:$0x3FFE];
	_ =	sdelay $0x1  }
0x8a: {  	s1 =	srdreg.scid  }
0x8b: {  	s0 =	sand.u32 $0x1, s1  }
0x8c: {  	s17 =	sshll.u32 s0, $0xA;
	s2 =	sadd.s32 s3, s2  }
0x8d: {  	s2 =	sadd.s32 s2, s17  }
0x8e: {  	[smem:$0x3FC2] =	sst s2  }
0x8f: {  	_ = 	snop  }
0x90: {  	s2 =	sld [smem:$0x3FD0];
	(tm) =	ssettm $0x1  }
0x91: {  	s18 =	sld [smem:$0x3FFB];
	_ =	sdelay $0x3  }
0x92: {  	_ =	strace s18  }
0x93: {  	s3 =	sld [smem:$0x3FFC];
	_ =	sdelay $0x3  }
0x94: {  	_ =	strace s3  }
0x95: {  	s3 =	sld [smem:$0x3FFD];
	_ =	sdelay $0x3  }
0x96: {  	_ =	strace s3  }
0x97: {  	_ =	strace $0x8FFFFFFF  }
0x98: {  	s19 =	sld [smem:$0x3FDB];
	_ =	sdelay $0x1  }
0x99: {  	s4 =	simm.s32 $_scs_section_size  }
0x9a: {  	s5 =	simm.s32 $_size__tile_overlayer_lowered;
	s6 =	simm.s32 $_tile_overlayer_lowered  }
0x9b: {  	s22 =	simm.s32 $0x1BFF;
	s21 =	sshll.u32 s6, $0x1;
	s3 =	sadd.s32 s4, s19  }
0x9c: {  	s7 =	simm.s32 $0x0;
	s20 =	sshll.u32 s5, $0x1;
	s5 =	sadd.s32 s21, s3  }
0x9d: {  	[timem:s7], [sflag:s22] =	dma.local [hbm:s5], s20  }
0x9e: {  	_ =	swait.ge [sflag:s22], s20  }
0x9f: {  	s4 =	ssub.s32 $0x0, s20;
	[sflag:s22] =	ssyncset.done $0x0  }
0xa0: {  	[sflag:s22] =	ssyncadd.s32 s4;
	_ =	sdelay $0x1  }
0xa1: {  	s23 =	simm.s32 $0x1B8B  }
0xa2: {  	_ =	swait.ge [sflag:s23], $0x1  }
0xa3: {  	[sflag:s23] =	ssyncset.done $0x0  }
0xa4: {  	s25 =	simm.s32 $0x1B8E;
	s24 =	sld [smem:$0x3FFE];
	[sflag:s23] =	ssyncadd.s32 $0xFFFFFFFF  }
0xa5: {  	s26 =	simm.s32 $execute0_lowered;
	[smem:$0x3FD2] =	sst s25  }
0xa6: {  	s5 =	sshll.u32 s26, $0x1;
	_ =	strace $0x80000046;
	[dreg:$0x1] =	wrdreg $0xFFFFFFFF  }
0xa7: {  	s28 =	simm.s32 $_size_execute0_lowered;
	s3 =	sadd.s32 s3, s5;
	[dreg:$0x0] =	wrdreg $0x0  }
0xa8: {  	s5 =	sshll.u32 s28, $0x1;
	[dreg:$0x2] =	wrdreg s3  }
0xa9: {  	[dreg:$0x3] =	wrdreg s5  }
0xaa: {  	[dreg:$0x4] =	wrdreg $0xC0  }
0xab: {  	_ =	task [dreg:s7], $0x5FFFF  }
0xac: {  	[dreg:$0x1] =	wrdreg $0xFFFFFFFF  }
0xad: {  	[dreg:$0x0] =	wrdreg $0x60  }
0xae: {  	[dreg:$0x2] =	wrdreg s24  }
0xaf: {  	[dreg:$0x3] =	wrdreg s2  }
0xb0: {  	[dreg:$0x4] =	wrdreg $0x4800  }
0xb1: {  	[dreg:$0x5] =	wrdreg $0x9  }
0xb2: {  	_ =	task.clear_ibuf [dreg:s7], $0x6FFFF;
	_ =	strace $0x90000046  }
0xb3: {  	s29 =	simm.s32 $0x9;
	_ =	strace $0x80000048  }
0xb4: {  	_ =	swait.ge [sflag:s29], $0x1  }
0xb5: {  	[sflag:s29] =	ssyncadd.s32 $0xFFFFFFFF  }
0xb6: {  	_ =	strace $0x90000048  }
0xb7: {  	_ =	sfence  }
0xb8: {  	s30 =	sld [smem:$0x0];
	_ =	sdelay $0x2  }
0xb9: {  	s31 =	sshll.u32 s1, $0xD;
	s1 =	sshrl.u32 s1, $0x2  }
0xba: {  	s3 =	sand.u32 $0x4000, s31;
	s1 =	sadd.s32 s1, s30  }
0xbb: {  	s0 =	sor.u32 s3, s0;
	s1 =	sshll.u32 s1, $0x11  }
0xbc: {  	s0 =	sor.u32 s1, s0  }
0xbd: {  	s0 =	sadd.s32 $0x8F2B, s0  }
0xbe: {  	[sflag:s0] =	ssyncadd.remote.s32 $0x1  }
0xbf: {  	_ =	sfence.sel $0xFFFF  }
0xc0: {  	[dreg:$0x0] =	wrdreg $0xFFFFFFFF;
	(pc) =	sbr.abs _section_cstart, $3  }
0xc1: {  	[dreg:$0x1] =	wrdreg $0xFFFFFFFF  }
0xc2: {  	_ =	task.clear_ibuf [dreg:s7], $0x2FFFF;
	_ =	strace $0x9FFFFFFF  }
0xc3: {  	(tm) =	ssettm $0x7FFFFFFF  }
tec
execute0_lowered:
.L_overlay_start_1:
0x0: {  	(tag) =	ssettag $0x1  }
0x1: {  	s0 =	srdreg.scid;
	s4 =	rddreg [dreg:$0x0]  }
0x2: {  	s8 =	stileid.u32;
	s6 =	rddreg [dreg:$0x1]  }
0x3: {  	s1 =	rddreg [dreg:$0x2];
	s2 =	simm.s32 $0x0;
	s11 =	simm.s32 $0x64  }
0x4: {  	s12 =	simm.s32 $0x80;
	s13 =	simm.s32 $0x100;
	s14 =	simm.s32 $0x180  }
0x5: {  	s15 =	simm.s32 $0x200;
	s16 =	simm.s32 $0x280;
	s17 =	simm.s32 $0x300  }
0x6: {  	s18 =	simm.s32 $0x380;
	s5 =	sand.u32 $0x1, s0;
	s0 =	rddreg [dreg:$0x3]  }
0x7: {  	s19 =	simm.s32 $0x0;
	s7 =	smul.u32 $0x6400, s8;
	[smem:$0x7FF] =	sst s2  }
0x8: {  	p0 =	sne.s32 s8, $0x0;
	s8 =	simm.s32 $0x400;
	s3 =	smul.u32 $0x64000, s5  }
0x9: {  	_ =	strace $0x80000047;
	s9 =	ssub.s32 $0x2, s5;
	s5 =	sshll.u32 s5, $0x4  }
0xa: {  	s10 =	sshrl.u32 s9, $0x1;
	s5 =	sadd.s32 s6, s5;
	s3 =	sadd.s32 s7, s3  }
0xb: {  	s9 =	ssub.s32 s9, s10;
	s10 =	sshrl.u32 @!p0 s1, $0x3;
	s3 =	sshrl.u32 s3, $0x3  }
0xc: {  	s6 =	smax.u32 s9, $0x1;
	s9 =	simm.s32 $0x1;
	s31 =	sadd.s32 s3, s4  }
0xd: {  	s3 =	sadd.s32 $0x1B600, s4;
	s4 =	sadd.s32 $0x1BC00, s4;
	s7 =	sadd.s32 $0x2600, s31  }
.LBB2_1:
0xe: {  	[tilespmem:s8], [sflag:$0x1] =	stream.linear.gather [hbm4b:s4+s2], $0x80, $0x38;
	[tilespmem:$0x6F8] =	vst v63  }
0xf: {  	_ =	swait.ge [sflag:s9], $0x80  }
0x10: {  	[sflag:s9] =	ssyncset.done $0x0  }
0x11: {  	s20 =	simm.s32 @!p0 $0x1C01;
	[sflag:s9] =	ssyncadd.s32 $0xFFFFFF80  }
0x12: {  	[spmem:s10], [sflag:s20] =	dma.local @!p0 [hbm:s3], $0x4F0  }
0x13: {  	s20 =	simm.s32 @!p0 $0x1  }
0x14: {  	_ =	swait.ge @!p0 [sflag:s20], $0x4F0  }
0x15: {  	[sflag:s20] =	ssyncset.done @!p0 $0x0  }
0x16: {  	[sflag:s20] =	ssyncadd.s32 @!p0 $0xFFFFFB10  }
0x17: {  	s31 =	sadd.s32 $0x0, s7;
	[bflag:$0x0] =	sbarrier.arrive $0xFFFF  }
0x18: {  	[tilespmem:s2], [sflag:$0x1] =	stream.linear.gather [hbm4b:s31+s2], $0x400, $0x38;
	[tilespmem:$0x6F8] =	vst v63  }
0x19: {  	_ =	swait.ge [sflag:s9], $0x400  }
0x1a: {  	[sflag:s9] =	ssyncset.done $0x0  }
0x1b: {  	[sflag:s9] =	ssyncadd.s32 $0xFFFFFC00  }
0x1c: {  	[spmem:s1] =	stream.indirect.scatter.add.f32 [tilespmem:s8], [sflag:$0x1], $0x1, s2, s11, $0xb8;
	[tilespmem:$0x6F8] =	vst v63  }
0x1d: {  	_ =	swait.ge [sflag:s9], $0x64  }
0x1e: {  	[sflag:s9] =	ssyncset.done $0x0  }
0x1f: {  	[sflag:s9] =	ssyncadd.s32 $0xFFFFFF9C  }
0x20: {  	[spmem:s1] =	stream.indirect.scatter.add.f32 [tilespmem:s8], [sflag:$0x1], $0x1, s12, s11, $0xb8;
	[tilespmem:$0x6F8] =	vst v63  }
0x21: {  	_ =	swait.ge [sflag:s9], $0x64  }
0x22: {  	[sflag:s9] =	ssyncset.done $0x0  }
0x23: {  	[sflag:s9] =	ssyncadd.s32 $0xFFFFFF9C  }
0x24: {  	[spmem:s1] =	stream.indirect.scatter.add.f32 [tilespmem:s8], [sflag:$0x1], $0x1, s13, s11, $0xb8;
	[tilespmem:$0x6F8] =	vst v63  }
0x25: {  	_ =	swait.ge [sflag:s9], $0x64  }
0x26: {  	[sflag:s9] =	ssyncset.done $0x0  }
0x27: {  	[sflag:s9] =	ssyncadd.s32 $0xFFFFFF9C  }
0x28: {  	[spmem:s1] =	stream.indirect.scatter.add.f32 [tilespmem:s8], [sflag:$0x1], $0x1, s14, s11, $0xb8;
	[tilespmem:$0x6F8] =	vst v63  }
0x29: {  	_ =	swait.ge [sflag:s9], $0x64  }
0x2a: {  	[sflag:s9] =	ssyncset.done $0x0  }
0x2b: {  	[sflag:s9] =	ssyncadd.s32 $0xFFFFFF9C  }
0x2c: {  	[spmem:s1] =	stream.indirect.scatter.add.f32 [tilespmem:s8], [sflag:$0x1], $0x1, s15, s11, $0xb8;
	[tilespmem:$0x6F8] =	vst v63  }
0x2d: {  	_ =	swait.ge [sflag:s9], $0x64  }
0x2e: {  	[sflag:s9] =	ssyncset.done $0x0  }
0x2f: {  	[sflag:s9] =	ssyncadd.s32 $0xFFFFFF9C  }
0x30: {  	[spmem:s1] =	stream.indirect.scatter.add.f32 [tilespmem:s8], [sflag:$0x1], $0x1, s16, s11, $0xb8;
	[tilespmem:$0x6F8] =	vst v63  }
0x31: {  	_ =	swait.ge [sflag:s9], $0x64  }
0x32: {  	[sflag:s9] =	ssyncset.done $0x0  }
0x33: {  	[sflag:s9] =	ssyncadd.s32 $0xFFFFFF9C  }
0x34: {  	[spmem:s1] =	stream.indirect.scatter.add.f32 [tilespmem:s8], [sflag:$0x1], $0x1, s17, s11, $0xb8;
	[tilespmem:$0x6F8] =	vst v63  }
0x35: {  	_ =	swait.ge [sflag:s9], $0x64  }
0x36: {  	[sflag:s9] =	ssyncset.done $0x0  }
0x37: {  	[sflag:s9] =	ssyncadd.s32 $0xFFFFFF9C  }
0x38: {  	[spmem:s1] =	stream.indirect.scatter.add.f32 [tilespmem:s8], [sflag:$0x1], $0x1, s18, s11, $0xb8;
	[tilespmem:$0x6F8] =	vst v63  }
0x39: {  	_ =	swait.ge [sflag:s9], $0x64  }
0x3a: {  	s22 =	simm.s32 $0x100;
	s20 =	simm.s32 $0x80;
	[sflag:s9] =	ssyncset.done $0x0  }
.LBB2_2:
0x3b: {  	s23 =	sadd.s32 s20, s7  }
0x3c: {  	[sflag:s9] =	ssyncadd.s32 $0xFFFFFF9C;
	s20 =	smov.u32 s22;
	s21 =	sadd.s32 $0x80, s22  }
0x3d: {  	[tilespmem:s2], [sflag:$0x1] =	stream.linear.gather [hbm4b:s23+s2], $0x400, $0x38;
	[tilespmem:$0x6F8] =	vst v63  }
0x3e: {  	p1 =	sne.s32 s22, $0xC00;
	_ =	swait.ge [sflag:s9], $0x400  }
0x3f: {  	[sflag:s9] =	ssyncset.done $0x0  }
0x40: {  	[sflag:s9] =	ssyncadd.s32 $0xFFFFFC00  }
0x41: {  	[spmem:s1] =	stream.indirect.scatter.add.f32 [tilespmem:s8], [sflag:$0x1], $0x1, s2, s11, $0xb8;
	[tilespmem:$0x6F8] =	vst v63  }
0x42: {  	_ =	swait.ge [sflag:s9], $0x64  }
0x43: {  	[sflag:s9] =	ssyncset.done $0x0  }
0x44: {  	[sflag:s9] =	ssyncadd.s32 $0xFFFFFF9C  }
0x45: {  	[spmem:s1] =	stream.indirect.scatter.add.f32 [tilespmem:s8], [sflag:$0x1], $0x1, s12, s11, $0xb8;
	[tilespmem:$0x6F8] =	vst v63  }
0x46: {  	_ =	swait.ge [sflag:s9], $0x64  }
0x47: {  	[sflag:s9] =	ssyncset.done $0x0  }
0x48: {  	[sflag:s9] =	ssyncadd.s32 $0xFFFFFF9C  }
0x49: {  	[spmem:s1] =	stream.indirect.scatter.add.f32 [tilespmem:s8], [sflag:$0x1], $0x1, s13, s11, $0xb8;
	[tilespmem:$0x6F8] =	vst v63  }
0x4a: {  	_ =	swait.ge [sflag:s9], $0x64  }
0x4b: {  	[sflag:s9] =	ssyncset.done $0x0  }
0x4c: {  	[sflag:s9] =	ssyncadd.s32 $0xFFFFFF9C  }
0x4d: {  	[spmem:s1] =	stream.indirect.scatter.add.f32 [tilespmem:s8], [sflag:$0x1], $0x1, s14, s11, $0xb8;
	[tilespmem:$0x6F8] =	vst v63  }
0x4e: {  	_ =	swait.ge [sflag:s9], $0x64  }
0x4f: {  	[sflag:s9] =	ssyncset.done $0x0  }
0x50: {  	[sflag:s9] =	ssyncadd.s32 $0xFFFFFF9C  }
0x51: {  	[spmem:s1] =	stream.indirect.scatter.add.f32 [tilespmem:s8], [sflag:$0x1], $0x1, s15, s11, $0xb8;
	[tilespmem:$0x6F8] =	vst v63  }
0x52: {  	_ =	swait.ge [sflag:s9], $0x64  }
0x53: {  	[sflag:s9] =	ssyncset.done $0x0  }
0x54: {  	[sflag:s9] =	ssyncadd.s32 $0xFFFFFF9C  }
0x55: {  	[spmem:s1] =	stream.indirect.scatter.add.f32 [tilespmem:s8], [sflag:$0x1], $0x1, s16, s11, $0xb8;
	[tilespmem:$0x6F8] =	vst v63  }
0x56: {  	_ =	swait.ge [sflag:s9], $0x64  }
0x57: {  	[sflag:s9] =	ssyncset.done $0x0  }
0x58: {  	[sflag:s9] =	ssyncadd.s32 $0xFFFFFF9C  }
0x59: {  	[spmem:s1] =	stream.indirect.scatter.add.f32 [tilespmem:s8], [sflag:$0x1], $0x1, s17, s11, $0xb8;
	[tilespmem:$0x6F8] =	vst v63  }
0x5a: {  	_ =	swait.ge [sflag:s9], $0x64  }
.Ltmp0:
0x5b: {  	[sflag:s9] =	ssyncset.done $0x0;
	(pc) =	sbr.rel @p1 .LBB2_2-.Ltmp0, $4  }
0x5c: {  	[sflag:s9] =	ssyncadd.s32 $0xFFFFFF9C  }
0x5d: {  	[spmem:s1] =	stream.indirect.scatter.add.f32 [tilespmem:s8], [sflag:$0x1], $0x1, s18, s11, $0xb8;
	[tilespmem:$0x6F8] =	vst v63  }
0x5e: {  	_ =	swait.ge [sflag:s9], $0x64  }
0x5f: {  	s22 =	smov.u32 s21;
	[sflag:s9] =	ssyncset.done $0x0  }
0x60: {  	s20 =	sadd.s32 s20, s7;
	[sflag:s9] =	ssyncadd.s32 $0xFFFFFF9C  }
0x61: {  	[tilespmem:s2], [sflag:$0x1] =	stream.linear.gather [hbm4b:s20+s2], $0x400, $0x38;
	[tilespmem:$0x6F8] =	vst v63  }
0x62: {  	_ =	swait.ge [sflag:s9], $0x400  }
0x63: {  	[sflag:s9] =	ssyncset.done $0x0  }
0x64: {  	[sflag:s9] =	ssyncadd.s32 $0xFFFFFC00  }
0x65: {  	[spmem:s1] =	stream.indirect.scatter.add.f32 [tilespmem:s8], [sflag:$0x1], $0x1, s2, s11, $0xb8;
	[tilespmem:$0x6F8] =	vst v63  }
0x66: {  	_ =	swait.ge [sflag:s9], $0x64  }
0x67: {  	[sflag:s9] =	ssyncset.done $0x0  }
0x68: {  	[sflag:s9] =	ssyncadd.s32 $0xFFFFFF9C  }
0x69: {  	[spmem:s1] =	stream.indirect.scatter.add.f32 [tilespmem:s8], [sflag:$0x1], $0x1, s12, s11, $0xb8;
	[tilespmem:$0x6F8] =	vst v63  }
0x6a: {  	_ =	swait.ge [sflag:s9], $0x64  }
0x6b: {  	[sflag:s9] =	ssyncset.done $0x0  }
0x6c: {  	[sflag:s9] =	ssyncadd.s32 $0xFFFFFF9C  }
0x6d: {  	[spmem:s1] =	stream.indirect.scatter.add.f32 [tilespmem:s8], [sflag:$0x1], $0x1, s13, s11, $0xb8;
	[tilespmem:$0x6F8] =	vst v63  }
0x6e: {  	_ =	swait.ge [sflag:s9], $0x64  }
0x6f: {  	[sflag:s9] =	ssyncset.done $0x0  }
0x70: {  	[sflag:s9] =	ssyncadd.s32 $0xFFFFFF9C  }
0x71: {  	[spmem:s1] =	stream.indirect.scatter.add.f32 [tilespmem:s8], [sflag:$0x1], $0x1, s14, s11, $0xb8;
	[tilespmem:$0x6F8] =	vst v63  }
0x72: {  	_ =	swait.ge [sflag:s9], $0x64  }
0x73: {  	[sflag:s9] =	ssyncset.done $0x0  }
0x74: {  	[sflag:s9] =	ssyncadd.s32 $0xFFFFFF9C  }
0x75: {  	[spmem:s1] =	stream.indirect.scatter.add.f32 [tilespmem:s8], [sflag:$0x1], $0x1, s15, s11, $0xb8;
	[tilespmem:$0x6F8] =	vst v63  }
0x76: {  	_ =	swait.ge [sflag:s9], $0x64  }
0x77: {  	[sflag:s9] =	ssyncset.done $0x0  }
0x78: {  	[sflag:s9] =	ssyncadd.s32 $0xFFFFFF9C  }
0x79: {  	[spmem:s1] =	stream.indirect.scatter.add.f32 [tilespmem:s8], [sflag:$0x1], $0x1, s16, s11, $0xb8;
	[tilespmem:$0x6F8] =	vst v63  }
0x7a: {  	_ =	swait.ge [sflag:s9], $0x64  }
0x7b: {  	[sflag:s9] =	ssyncset.done $0x0  }
0x7c: {  	[sflag:s9] =	ssyncadd.s32 $0xFFFFFF9C  }
0x7d: {  	[spmem:s1] =	stream.indirect.scatter.add.f32 [tilespmem:s8], [sflag:$0x1], $0x1, s17, s11, $0xb8;
	[tilespmem:$0x6F8] =	vst v63  }
0x7e: {  	_ =	swait.ge [sflag:s9], $0x64  }
0x7f: {  	[sflag:s9] =	ssyncset.done $0x0  }
0x80: {  	[sflag:s9] =	ssyncadd.s32 $0xFFFFFF9C  }
0x81: {  	[spmem:s1] =	stream.indirect.scatter.add.f32 [tilespmem:s8], [sflag:$0x1], $0x1, s18, s11, $0xb8;
	[tilespmem:$0x6F8] =	vst v63  }
0x82: {  	s21 =	simm.s32 @!p0 $0x20;
	_ =	swait.ge [sflag:s9], $0x64  }
0x83: {  	s22 =	simm.s32 @!p0 $0x10;
	s19 =	sadd.s32 $0x1, s19;
	[sflag:s9] =	ssyncset.done $0x0  }
0x84: {  	s23 =	simm.s32 @!p0 $0x1C01;
	p1 =	sne.s32 s19, s6;
	[sflag:s9] =	ssyncadd.s32 $0xFFFFFF9C  }
.Ltmp1:
0x85: {  	s20 =	simm.s32 @!p0 $0x1;
	[bflag:$0x0] =	sbarrier.arrive $0xFFFF;
	(pc) =	sbr.rel @p1 .LBB2_1-.Ltmp1, $4  }
0x86: {  	[hbm:s5@s21], [sflag:s23] =	dma.strided @!p0 [spmem:s10@s22], $0x4F0, s20, $0x10   }
0x87: {  	_ =	swait.ge @!p0 [sflag:s20], $0x4F0  }
0x88: {  	[sflag:s20] =	ssyncset.done @!p0 $0x0  }
0x89: {  	[sflag:s20] =	ssyncadd.s32 @!p0 $0xFFFFFB10  }
0x8a: {  	_ =	sfence.sel $0x180000  }
0x8b: {  	[bflag:$0x0] =	sbarrier.arrive $0xFFFF  }
0x8c: {  	_ =	strace $0x90000047  }
0x8d: {  	s0 =	sadd.s32 @!p0 $0x100000, s0;
	[bflag:$0x2] =	sbarrier.arrive $0xFFFF  }
0x8e: {  	[sflag:s0] =	ssyncadd.tile.s32 @!p0 $0x1;
	_ =	shalt  }
.Lfunc_end2:
_tile_overlayer_lowered:
.L_overlay_start_2:
0x8f: {  	(tag) =	ssettag $0x2  }
0x90: {  	s0 =	rddreg [dreg:$0x0];
	s2 =	stileid.u32  }
0x91: {  	s1 =	rddreg [dreg:$0x1];
	p0 =	sne.s32 s2, $0x0  }
0x92: {  	s3 =	rddreg [dreg:$0x2];
	[bflag:$0x3] =	sbarrier.arrive $0xFFFF;
	s2 =	simm.s32 @!p0 $0x1C01  }
0x93: {  	[timem:s3], [sflag:s2] =	dma.local @!p0 [hbm:s0], s1  }
0x94: {  	s0 =	simm.s32 @!p0 $0x1  }
0x95: {  	_ =	swait.ge @!p0 [sflag:s0], s1  }
0x96: {  	s1 =	ssub.s32 @!p0 $0x0, s1;
	[sflag:s0] =	ssyncset.done @!p0 $0x0  }
0x97: {  	[sflag:s0] =	ssyncadd.s32 @!p0 s1  }
0x98: {  	[bflag:$0x3] =	sbarrier.arrive $0xFFFF  }
0x99: {  	_ =	shalt  }

</sc_bundles>
